<compile_context>
chip_gen: v7x
topology: tpu7x:2x2x1
jax: 0.10.2.dev20260603
libtpu: 0.0.44.dev20260713+nightly
codegen_flags: <defaults>
</compile_context>

<pallas_src>
import functools

import jax
import jax.numpy as jnp
from jax import lax
from jax.experimental import pallas as pl
from jax.experimental.pallas import tpu as pltpu
from jax.experimental.pallas import tpu_sc as plsc

N, E, D, DE = 10000, 320000, 128, 16

NC, NS = 2, 16
NW = NC * NS
EPW = E // NW
CHUNK = 80
NCHUNK = EPW // CHUNK
ROW_TILE = 624

_sc_mesh = plsc.VectorSubcoreMesh(core_axis_name="c", subcore_axis_name="s")



def _premix_body(h_ref, w1a_ref, w1b_ref, b1_ref, ha_ref, hb_ref):
    h = h_ref[...]
    ha_ref[...] = jnp.dot(h, w1a_ref[...], preferred_element_type=jnp.float32)
    hb_ref[...] = (jnp.dot(h, w1b_ref[...], preferred_element_type=jnp.float32)
                   + b1_ref[...])


def _edge_body(ga_ref, gb_ref, ea_ref, w1c_ref, w2_ref, b2_ref, m_ref):
    pre = (ga_ref[...] + gb_ref[...]
           + jnp.dot(ea_ref[...], w1c_ref[...],
                     preferred_element_type=jnp.float32))
    m1 = jnp.maximum(pre, 0.0)
    m_ref[...] = jnp.maximum(
        jnp.dot(m1, w2_ref[...], preferred_element_type=jnp.float32)
        + b2_ref[...], 0.0)


def _node_body(h_ref, p0_ref, p1_ref, u1a_ref, u1b_ref, bu1_ref,
               u2_ref, bu2_ref, o_ref):
    aggr = p0_ref[...] + p1_ref[...]
    t = jnp.maximum(
        jnp.dot(h_ref[...], u1a_ref[...], preferred_element_type=jnp.float32)
        + jnp.dot(aggr, u1b_ref[...], preferred_element_type=jnp.float32)
        + bu1_ref[...], 0.0)
    o_ref[...] = jnp.maximum(
        jnp.dot(t, u2_ref[...], preferred_element_type=jnp.float32)
        + bu2_ref[...], 0.0)


def _rep(shape):
    return pl.BlockSpec(shape, lambda i: (0,) * len(shape))


def _premix(h, w1a, w1b, b1r):
    blk = 1000
    return pl.pallas_call(
        _premix_body,
        grid=(N // blk,),
        in_specs=[pl.BlockSpec((blk, D), lambda i: (i, 0)),
                  _rep((D, D)), _rep((D, D)), _rep((1, D))],
        out_specs=[pl.BlockSpec((blk, D), lambda i: (i, 0)),
                   pl.BlockSpec((blk, D), lambda i: (i, 0))],
        out_shape=[jax.ShapeDtypeStruct((N, D), jnp.float32),
                   jax.ShapeDtypeStruct((N, D), jnp.float32)],
    )(h, w1a, w1b, b1r)


def _edge_mlp(ga, gb, ea, w1c, w2, b2r):
    blk = 3200
    return pl.pallas_call(
        _edge_body,
        grid=(E // blk,),
        in_specs=[pl.BlockSpec((blk, D), lambda i: (i, 0)),
                  pl.BlockSpec((blk, D), lambda i: (i, 0)),
                  pl.BlockSpec((blk, DE), lambda i: (i, 0)),
                  _rep((DE, D)), _rep((D, D)), _rep((1, D))],
        out_specs=pl.BlockSpec((blk, D), lambda i: (i, 0)),
        out_shape=jax.ShapeDtypeStruct((E, D), jnp.float32),
    )(ga, gb, ea, w1c, w2, b2r)


def _node_mlp(h, p0, p1, u1a, u1b, bu1r, u2, bu2r):
    blk = 1000
    return pl.pallas_call(
        _node_body,
        grid=(N // blk,),
        in_specs=[pl.BlockSpec((blk, D), lambda i: (i, 0)),
                  pl.BlockSpec((blk, D), lambda i: (i, 0)),
                  pl.BlockSpec((blk, D), lambda i: (i, 0)),
                  _rep((D, D)), _rep((D, D)), _rep((1, D)),
                  _rep((D, D)), _rep((1, D))],
        out_specs=pl.BlockSpec((blk, D), lambda i: (i, 0)),
        out_shape=jax.ShapeDtypeStruct((N, D), jnp.float32),
    )(h, p0, p1, u1a, u1b, bu1r, u2, bu2r)



@functools.partial(
    pl.kernel,
    mesh=_sc_mesh,
    out_type=(jax.ShapeDtypeStruct((E, D), jnp.float32),
              jax.ShapeDtypeStruct((E, D), jnp.float32)),
    scratch_types=[
        pltpu.VMEM((NCHUNK, CHUNK), jnp.int32),
        pltpu.VMEM((NCHUNK, CHUNK), jnp.int32),
        pltpu.VMEM((CHUNK, D), jnp.float32),
        pltpu.VMEM((CHUNK, D), jnp.float32),
        pltpu.SemaphoreType.DMA,
        pltpu.SemaphoreType.DMA,
    ],
)
def _sc_gather(dst_hbm, src_hbm, ha_hbm, hb_hbm, ga_hbm, gb_hbm,
               dsti_v, srci_v, rowsa_v, rowsb_v, sema, semb):
    c = lax.axis_index("c")
    s = lax.axis_index("s")
    w = c * NS + s
    base = w * EPW
    pltpu.sync_copy(dst_hbm.at[w], dsti_v)
    pltpu.sync_copy(src_hbm.at[w], srci_v)

    def step(j, carry):
        cpa = pltpu.async_copy(ha_hbm.at[dsti_v.at[j]], rowsa_v, sema)
        cpb = pltpu.async_copy(hb_hbm.at[srci_v.at[j]], rowsb_v, semb)
        cpa.wait()
        cpb.wait()
        pltpu.sync_copy(rowsa_v, ga_hbm.at[pl.ds(base + j * CHUNK, CHUNK)])
        pltpu.sync_copy(rowsb_v, gb_hbm.at[pl.ds(base + j * CHUNK, CHUNK)])
        return carry

    lax.fori_loop(0, NCHUNK, step, 0)


@functools.partial(
    pl.kernel,
    mesh=_sc_mesh,
    out_type=jax.ShapeDtypeStruct((NC, N, D), jnp.float32),
    scratch_types=[
        pltpu.VMEM((NCHUNK, CHUNK), jnp.int32),
        pltpu.VMEM((CHUNK, D), jnp.float32),
        pltpu.VMEM_SHARED((N, D), jnp.float32),
        pltpu.SemaphoreType.DMA,
    ],
)
def _sc_scatter(dst_hbm, m_hbm, zeros_hbm, out_hbm,
                dsti_v, rows_v, accum_sh, sem):
    c = lax.axis_index("c")
    s = lax.axis_index("s")
    w = c * NS + s
    base = w * EPW
    r0 = s * ROW_TILE
    pltpu.sync_copy(zeros_hbm.at[pl.ds(r0, ROW_TILE)],
                    accum_sh.at[pl.ds(r0, ROW_TILE)])

    @pl.when(s == NS - 1)
    def _():
        pltpu.sync_copy(zeros_hbm.at[pl.ds(NS * ROW_TILE, N - NS * ROW_TILE)],
                        accum_sh.at[pl.ds(NS * ROW_TILE, N - NS * ROW_TILE)])

    pltpu.sync_copy(dst_hbm.at[w], dsti_v)
    plsc.subcore_barrier()

    def step(j, carry):
        pltpu.sync_copy(m_hbm.at[pl.ds(base + j * CHUNK, CHUNK)], rows_v)
        pltpu.sync_copy(rows_v, accum_sh.at[dsti_v.at[j]], add=True)
        return carry

    lax.fori_loop(0, NCHUNK, step, 0)
    plsc.subcore_barrier()
    pltpu.sync_copy(accum_sh.at[pl.ds(r0, ROW_TILE)],
                    out_hbm.at[c, pl.ds(r0, ROW_TILE)])

    @pl.when(s == NS - 1)
    def _():
        pltpu.sync_copy(accum_sh.at[pl.ds(NS * ROW_TILE, N - NS * ROW_TILE)],
                        out_hbm.at[c, pl.ds(NS * ROW_TILE, N - NS * ROW_TILE)])



def kernel(h, edge_index, edge_attr, W1, b1, W2, b2, U1, bu1, U2, bu2):
    w1a, w1b, w1c = W1[:D], W1[D:2 * D], W1[2 * D:]
    u1a, u1b = U1[:D], U1[D:]
    b1r, b2r = b1.reshape(1, D), b2.reshape(1, D)
    bu1r, bu2r = bu1.reshape(1, D), bu2.reshape(1, D)
    src3 = edge_index[0].reshape(NW, NCHUNK, CHUNK)
    dst3 = edge_index[1].reshape(NW, NCHUNK, CHUNK)

    ha, hb = _premix(h, w1a, w1b, b1r)
    ga, gb = _sc_gather(dst3, src3, ha, hb)
    m = _edge_mlp(ga, gb, edge_attr, w1c, w2=W2, b2r=b2r)
    parts = _sc_scatter(dst3, m, jnp.zeros((N, D), jnp.float32))
    return _node_mlp(h, parts[0], parts[1], u1a, u1b, bu1r, U2, bu2r)

# --- scband reference (transcript-rebuilt; emitter-appended) ---
"""Pipeline reference for scband-mpnnmodel-23373212024952 (READ-ONLY COPY).

The authoritative reference and input builder live on the scoring server;
editing this copy changes nothing except your own understanding.
"""

import jax, jax.numpy as jnp
import numpy as np

N, E, D, DE = 10000, 320000, 128, 16

def setup_inputs(seed: int = 0) -> dict:
    key = jax.random.key(seed)
    ks = jax.random.split(key, 12)
    h = jax.random.normal(ks[0], (N, D), dtype=jnp.float32)
    edge_index = jax.random.randint(ks[1], (2, E), 0, N, dtype=jnp.int32)
    edge_attr = jax.random.normal(ks[2], (E, DE), dtype=jnp.float32)
    s = 0.05
    W1 = jax.random.normal(ks[3], (2 * D + DE, D), dtype=jnp.float32) * s
    b1 = jnp.zeros((D,), dtype=jnp.float32)
    W2 = jax.random.normal(ks[4], (D, D), dtype=jnp.float32) * s
    b2 = jnp.zeros((D,), dtype=jnp.float32)
    U1 = jax.random.normal(ks[5], (2 * D, D), dtype=jnp.float32) * s
    bu1 = jnp.zeros((D,), dtype=jnp.float32)
    U2 = jax.random.normal(ks[6], (D, D), dtype=jnp.float32) * s
    bu2 = jnp.zeros((D,), dtype=jnp.float32)
    return {"h": h, "edge_index": edge_index, "edge_attr": edge_attr,
            "W1": W1, "b1": b1, "W2": W2, "b2": b2,
            "U1": U1, "bu1": bu1, "U2": U2, "bu2": bu2}

def reference(h, edge_index, edge_attr, W1, b1, W2, b2, U1, bu1, U2, bu2):
    src = edge_index[0]
    dst = edge_index[1]
    # message: psi(h_i, h_j, e_ij) where h_i = h[dst] (target), h_j = h[src] (source)
    h_i = jnp.take(h, dst, axis=0)
    h_j = jnp.take(h, src, axis=0)
    msg = jnp.concatenate([h_i, h_j, edge_attr], axis=-1)
    msg = jax.nn.relu(msg @ W1 + b1)
    msg = jax.nn.relu(msg @ W2 + b2)
    # aggregate: sum over incoming messages per target node
    aggr = jax.ops.segment_sum(msg, dst, num_segments=h.shape[0])
    # update: phi(h, m_i)
    upd = jnp.concatenate([h, aggr], axis=-1)
    upd = jax.nn.relu(upd @ U1 + bu1)
    out = jax.nn.relu(upd @ U2 + bu2)
    return out

if __name__ == "__main__":
    import jax
    _d = setup_inputs()
    print(jax.jit(kernel)(*tuple(_d.values())))

</pallas_src>

<mosaic_0001>
#map = affine_map<(d0, d1) -> (0, 0, 0)>
#map1 = affine_map<(d0, d1) -> (0, 0)>
module attributes {stable_mosaic.version = 14 : i64} {
  func.func @_sc_scatter(%arg0: i32, %arg1: i32, %arg2: memref<32x125x80xi32, #tpu.memory_space<hbm>>, %arg3: memref<320000x128xf32, #tpu.memory_space<hbm>>, %arg4: memref<10000x128xf32, #tpu.memory_space<hbm>>, %arg5: memref<2x10000x128xf32, #tpu.memory_space<hbm>>, %arg6: memref<125x80xi32, #tpu.memory_space<vmem>>, %arg7: memref<80x128xf32, #tpu.memory_space<vmem>>, %arg8: memref<10000x128xf32, #tpu.memory_space<vmem_shared>>, %arg9: memref<!tpu.dma_semaphore, #tpu.memory_space<semaphore_mem>>) attributes {dimension_semantics = [#tpu.dimension_semantics<core_parallel>, #tpu.dimension_semantics<subcore_parallel>], iteration_bounds = array<i64: 2, 16>, scalar_prefetch = 0 : i64, scratch_operands = 4 : i64, tpu.core_type = #tpu.core_type<sc_vector_subcore>, window_params = [{transform_indices = #map}, {transform_indices = #map1}, {transform_indices = #map1}, {transform_indices = #map}]} {
    %mul3A = arith.constant 16 : i32
    %mul3A_0 = arith.muli %arg0, %mul3A : i32
    %add3A = arith.addi %mul3A_0, %arg1 : i32
    %mul3A_1 = arith.constant 10000 : i32
    %mul3A_2 = arith.muli %add3A, %mul3A_1 : i32
    %mul3A_3 = arith.constant 624 : i32
    %mul3A_4 = arith.muli %arg1, %mul3A_3 : i32
    "tpu.region"() ({
      %run_scoped3A = tpu.sem_alloc : memref<!tpu.dma_semaphore, #tpu.memory_space<semaphore_mem>>
      %dma_start3A = arith.constant 0 : i32
      %dma_start3A_18 = tpu.memref_slice %arg8[%mul3A_4, %dma_start3A] : memref<10000x128xf32, #tpu.memory_space<vmem_shared>> -> memref<624x128xf32, #tpu.memory_space<vmem_shared>>
      %dma_start3A_19 = arith.constant 0 : i32
      %dma_start3A_20 = tpu.memref_slice %arg4[%mul3A_4, %dma_start3A_19] : memref<10000x128xf32, #tpu.memory_space<hbm>> -> memref<624x128xf32, #tpu.memory_space<hbm>>
      tpu.enqueue_dma source(%dma_start3A_20 : memref<624x128xf32, #tpu.memory_space<hbm>>) target(%dma_start3A_18 : memref<624x128xf32, #tpu.memory_space<vmem_shared>>) target_semaphore(%run_scoped3A : memref<!tpu.dma_semaphore, #tpu.memory_space<semaphore_mem>>)
      %dma_wait3A = arith.constant 0 : i32
      %dma_wait3A_21 = tpu.memref_slice %arg8[%mul3A_4, %dma_wait3A] : memref<10000x128xf32, #tpu.memory_space<vmem_shared>> -> memref<624x128xf32, #tpu.memory_space<vmem_shared>>
      %dma_wait3A_22 = arith.constant 0 : i32
      %dma_wait3A_23 = tpu.memref_slice %arg4[%mul3A_4, %dma_wait3A_22] : memref<10000x128xf32, #tpu.memory_space<hbm>> -> memref<624x128xf32, #tpu.memory_space<hbm>>
      tpu.wait_dma2 semaphore(%run_scoped3A : memref<!tpu.dma_semaphore, #tpu.memory_space<semaphore_mem>>) src(%dma_wait3A_23 : memref<624x128xf32, #tpu.memory_space<hbm>>) dst(%dma_wait3A_21 : memref<624x128xf32, #tpu.memory_space<vmem_shared>>)
      tpu.yield
    }) : () -> ()
    %eq3A = arith.constant 15 : i32
    %eq3A_5 = arith.cmpi eq, %arg1, %eq3A : i32
    %convert_element_type3A = arith.extui %eq3A_5 : i1 to i32
    %cond3A = arith.constant 0 : i32
    %cond3A_6 = arith.cmpi ne, %convert_element_type3A, %cond3A : i32
    scf.if %cond3A_6 {
      "tpu.region"() ({
        %run_scoped3A = tpu.sem_alloc : memref<!tpu.dma_semaphore, #tpu.memory_space<semaphore_mem>>
        %dma_start3A = arith.constant 9984 : i32
        %dma_start3A_18 = arith.constant 0 : i32
        %dma_start3A_19 = tpu.memref_slice %arg8[%dma_start3A, %dma_start3A_18] : memref<10000x128xf32, #tpu.memory_space<vmem_shared>> -> memref<16x128xf32, #tpu.memory_space<vmem_shared>>
        %dma_start3A_20 = arith.constant 9984 : i32
        %dma_start3A_21 = arith.constant 0 : i32
        %dma_start3A_22 = tpu.memref_slice %arg4[%dma_start3A_20, %dma_start3A_21] : memref<10000x128xf32, #tpu.memory_space<hbm>> -> memref<16x128xf32, #tpu.memory_space<hbm>>
        tpu.enqueue_dma source(%dma_start3A_22 : memref<16x128xf32, #tpu.memory_space<hbm>>) target(%dma_start3A_19 : memref<16x128xf32, #tpu.memory_space<vmem_shared>>) target_semaphore(%run_scoped3A : memref<!tpu.dma_semaphore, #tpu.memory_space<semaphore_mem>>)
        %dma_wait3A = arith.constant 9984 : i32
        %dma_wait3A_23 = arith.constant 0 : i32
        %dma_wait3A_24 = tpu.memref_slice %arg8[%dma_wait3A, %dma_wait3A_23] : memref<10000x128xf32, #tpu.memory_space<vmem_shared>> -> memref<16x128xf32, #tpu.memory_space<vmem_shared>>
        %dma_wait3A_25 = arith.constant 9984 : i32
        %dma_wait3A_26 = arith.constant 0 : i32
        %dma_wait3A_27 = tpu.memref_slice %arg4[%dma_wait3A_25, %dma_wait3A_26] : memref<10000x128xf32, #tpu.memory_space<hbm>> -> memref<16x128xf32, #tpu.memory_space<hbm>>
        tpu.wait_dma2 semaphore(%run_scoped3A : memref<!tpu.dma_semaphore, #tpu.memory_space<semaphore_mem>>) src(%dma_wait3A_27 : memref<16x128xf32, #tpu.memory_space<hbm>>) dst(%dma_wait3A_24 : memref<16x128xf32, #tpu.memory_space<vmem_shared>>)
        tpu.yield
      }) : () -> ()
    } else {
    }
    "tpu.region"() ({
      %run_scoped3A = tpu.sem_alloc : memref<!tpu.dma_semaphore, #tpu.memory_space<semaphore_mem>>
      %dma_start3A = arith.constant 0 : i32
      %dma_start3A_18 = arith.constant 0 : i32
      %dma_start3A_19 = tpu.memref_slice %arg2[%add3A, %dma_start3A, %dma_start3A_18] : memref<32x125x80xi32, #tpu.memory_space<hbm>> -> memref<1x125x80xi32, #tpu.memory_space<hbm>>
      %dma_start3A_20 = tpu.memref_squeeze %dma_start3A_19 : memref<1x125x80xi32, #tpu.memory_space<hbm>> -> memref<125x80xi32, #tpu.memory_space<hbm>>
      %dma_start3A_21 = arith.constant 0 : i32
      %dma_start3A_22 = arith.constant 0 : i32
      %dma_start3A_23 = tpu.memref_slice %arg2[%add3A, %dma_start3A_21, %dma_start3A_22] : memref<32x125x80xi32, #tpu.memory_space<hbm>> -> memref<1x125x80xi32, #tpu.memory_space<hbm>>
      %dma_start3A_24 = tpu.memref_squeeze %dma_start3A_23 : memref<1x125x80xi32, #tpu.memory_space<hbm>> -> memref<125x80xi32, #tpu.memory_space<hbm>>
      tpu.enqueue_dma source(%dma_start3A_24 : memref<125x80xi32, #tpu.memory_space<hbm>>) target(%arg6 : memref<125x80xi32, #tpu.memory_space<vmem>>) target_semaphore(%run_scoped3A : memref<!tpu.dma_semaphore, #tpu.memory_space<semaphore_mem>>)
      %dma_wait3A = arith.constant 0 : i32
      %dma_wait3A_25 = arith.constant 0 : i32
      %dma_wait3A_26 = tpu.memref_slice %arg2[%add3A, %dma_wait3A, %dma_wait3A_25] : memref<32x125x80xi32, #tpu.memory_space<hbm>> -> memref<1x125x80xi32, #tpu.memory_space<hbm>>
      %dma_wait3A_27 = tpu.memref_squeeze %dma_wait3A_26 : memref<1x125x80xi32, #tpu.memory_space<hbm>> -> memref<125x80xi32, #tpu.memory_space<hbm>>
      %dma_wait3A_28 = arith.constant 0 : i32
      %dma_wait3A_29 = arith.constant 0 : i32
      %dma_wait3A_30 = tpu.memref_slice %arg2[%add3A, %dma_wait3A_28, %dma_wait3A_29] : memref<32x125x80xi32, #tpu.memory_space<hbm>> -> memref<1x125x80xi32, #tpu.memory_space<hbm>>
      %dma_wait3A_31 = tpu.memref_squeeze %dma_wait3A_30 : memref<1x125x80xi32, #tpu.memory_space<hbm>> -> memref<125x80xi32, #tpu.memory_space<hbm>>
      tpu.wait_dma2 semaphore(%run_scoped3A : memref<!tpu.dma_semaphore, #tpu.memory_space<semaphore_mem>>) src(%dma_wait3A_31 : memref<125x80xi32, #tpu.memory_space<hbm>>) dst(%arg6 : memref<125x80xi32, #tpu.memory_space<vmem>>)
      tpu.yield
    }) : () -> ()
    %barrier3A = arith.constant 0 : index
    tpu.barrier barrier_id(%barrier3A)
    %scan3A = arith.constant 0 : i32
    %scan3A_7 = arith.constant 0 : i32
    %scan3A_8 = arith.constant 125 : i32
    %scan3A_9 = arith.addi %scan3A_7, %scan3A_8 : i32
    %scan3A_10 = arith.constant 1 : i32
    scf.for %scan3A_18 = %scan3A_7 to %scan3A_9 step %scan3A_10  : i32 {
      %mul3A_19 = arith.constant 80 : i32
      %mul3A_20 = arith.muli %scan3A_18, %mul3A_19 : i32
      %add3A_21 = arith.addi %mul3A_2, %mul3A_20 : i32
      "tpu.region"() ({
        %run_scoped3A = tpu.sem_alloc : memref<!tpu.dma_semaphore, #tpu.memory_space<semaphore_mem>>
        %dma_start3A = arith.constant 0 : i32
        %dma_start3A_22 = tpu.memref_slice %arg3[%add3A_21, %dma_start3A] : memref<320000x128xf32, #tpu.memory_space<hbm>> -> memref<80x128xf32, #tpu.memory_space<hbm>>
        %dma_start3A_23 = arith.constant 0 : i32
        %dma_start3A_24 = tpu.memref_slice %arg3[%add3A_21, %dma_start3A_23] : memref<320000x128xf32, #tpu.memory_space<hbm>> -> memref<80x128xf32, #tpu.memory_space<hbm>>
        tpu.enqueue_dma source(%dma_start3A_24 : memref<80x128xf32, #tpu.memory_space<hbm>>) target(%arg7 : memref<80x128xf32, #tpu.memory_space<vmem>>) target_semaphore(%run_scoped3A : memref<!tpu.dma_semaphore, #tpu.memory_space<semaphore_mem>>)
        %dma_wait3A = arith.constant 0 : i32
        %dma_wait3A_25 = tpu.memref_slice %arg3[%add3A_21, %dma_wait3A] : memref<320000x128xf32, #tpu.memory_space<hbm>> -> memref<80x128xf32, #tpu.memory_space<hbm>>
        %dma_wait3A_26 = arith.constant 0 : i32
        %dma_wait3A_27 = tpu.memref_slice %arg3[%add3A_21, %dma_wait3A_26] : memref<320000x128xf32, #tpu.memory_space<hbm>> -> memref<80x128xf32, #tpu.memory_space<hbm>>
        tpu.wait_dma2 semaphore(%run_scoped3A : memref<!tpu.dma_semaphore, #tpu.memory_space<semaphore_mem>>) src(%dma_wait3A_27 : memref<80x128xf32, #tpu.memory_space<hbm>>) dst(%arg7 : memref<80x128xf32, #tpu.memory_space<vmem>>)
        tpu.yield
      }) : () -> ()
      "tpu.region"() ({
        %run_scoped3A = tpu.sem_alloc : memref<!tpu.dma_semaphore, #tpu.memory_space<semaphore_mem>>
        %dma_start3A = arith.constant 0 : i32
        %dma_start3A_22 = tpu.memref_slice %arg6[%scan3A_18, %dma_start3A] : memref<125x80xi32, #tpu.memory_space<vmem>> -> memref<1x80xi32, #tpu.memory_space<vmem>>
        %dma_start3A_23 = tpu.memref_squeeze %dma_start3A_22 : memref<1x80xi32, #tpu.memory_space<vmem>> -> memref<80xi32, #tpu.memory_space<vmem>>
        %dma_start3A_24 = arith.constant 0 : i32
        %dma_start3A_25 = arith.constant 0 : i32
        %dma_start3A_26 = tpu.memref_slice %arg8[%dma_start3A_24, %dma_start3A_25] : memref<10000x128xf32, #tpu.memory_space<vmem_shared>> -> memref<10000x128xf32, #tpu.memory_space<vmem_shared>>
        tpu.enqueue_indirect_dma source(%arg7 : memref<80x128xf32, #tpu.memory_space<vmem>>) target(%dma_start3A_26 : memref<10000x128xf32, #tpu.memory_space<vmem_shared>>) offsets(%dma_start3A_23 : memref<80xi32, #tpu.memory_space<vmem>>) semaphore(%run_scoped3A : memref<!tpu.dma_semaphore, #tpu.memory_space<semaphore_mem>>) {add = true}
        %dma_wait3A = arith.constant 0 : i32
        %dma_wait3A_27 = tpu.memref_slice %arg6[%scan3A_18, %dma_wait3A] : memref<125x80xi32, #tpu.memory_space<vmem>> -> memref<1x80xi32, #tpu.memory_space<vmem>>
        %dma_wait3A_28 = tpu.memref_squeeze %dma_wait3A_27 : memref<1x80xi32, #tpu.memory_space<vmem>> -> memref<80xi32, #tpu.memory_space<vmem>>
        %dma_wait3A_29 = arith.constant 0 : i32
        %dma_wait3A_30 = arith.constant 0 : i32
        %dma_wait3A_31 = tpu.memref_slice %arg8[%dma_wait3A_29, %dma_wait3A_30] : memref<10000x128xf32, #tpu.memory_space<vmem_shared>> -> memref<10000x128xf32, #tpu.memory_space<vmem_shared>>
        tpu.wait_indirect_dma semaphore(%run_scoped3A : memref<!tpu.dma_semaphore, #tpu.memory_space<semaphore_mem>>) src(%arg7 : memref<80x128xf32, #tpu.memory_space<vmem>>) dst(%dma_wait3A_31 : memref<10000x128xf32, #tpu.memory_space<vmem_shared>>)
        tpu.yield
      }) : () -> ()
    }
    %scan3A_11 = arith.constant 125 : i32
    %barrier3A_12 = arith.constant 0 : index
    tpu.barrier barrier_id(%barrier3A_12)
    "tpu.region"() ({
      %run_scoped3A = tpu.sem_alloc : memref<!tpu.dma_semaphore, #tpu.memory_space<semaphore_mem>>
      %dma_start3A = arith.constant 0 : i32
      %dma_start3A_18 = tpu.memref_slice %arg5[%arg0, %mul3A_4, %dma_start3A] : memref<2x10000x128xf32, #tpu.memory_space<hbm>> -> memref<1x624x128xf32, #tpu.memory_space<hbm>>
      %dma_start3A_19 = tpu.memref_squeeze %dma_start3A_18 : memref<1x624x128xf32, #tpu.memory_space<hbm>> -> memref<624x128xf32, #tpu.memory_space<hbm>>
      %dma_start3A_20 = arith.constant 0 : i32
      %dma_start3A_21 = tpu.memref_slice %arg8[%mul3A_4, %dma_start3A_20] : memref<10000x128xf32, #tpu.memory_space<vmem_shared>> -> memref<624x128xf32, #tpu.memory_space<vmem_shared>>
      tpu.enqueue_dma source(%dma_start3A_21 : memref<624x128xf32, #tpu.memory_space<vmem_shared>>) target(%dma_start3A_19 : memref<624x128xf32, #tpu.memory_space<hbm>>) target_semaphore(%run_scoped3A : memref<!tpu.dma_semaphore, #tpu.memory_space<semaphore_mem>>)
      %dma_wait3A = arith.constant 0 : i32
      %dma_wait3A_22 = tpu.memref_slice %arg5[%arg0, %mul3A_4, %dma_wait3A] : memref<2x10000x128xf32, #tpu.memory_space<hbm>> -> memref<1x624x128xf32, #tpu.memory_space<hbm>>
      %dma_wait3A_23 = tpu.memref_squeeze %dma_wait3A_22 : memref<1x624x128xf32, #tpu.memory_space<hbm>> -> memref<624x128xf32, #tpu.memory_space<hbm>>
      %dma_wait3A_24 = arith.constant 0 : i32
      %dma_wait3A_25 = tpu.memref_slice %arg8[%mul3A_4, %dma_wait3A_24] : memref<10000x128xf32, #tpu.memory_space<vmem_shared>> -> memref<624x128xf32, #tpu.memory_space<vmem_shared>>
      tpu.wait_dma2 semaphore(%run_scoped3A : memref<!tpu.dma_semaphore, #tpu.memory_space<semaphore_mem>>) src(%dma_wait3A_25 : memref<624x128xf32, #tpu.memory_space<vmem_shared>>) dst(%dma_wait3A_23 : memref<624x128xf32, #tpu.memory_space<hbm>>)
      tpu.yield
    }) : () -> ()
    %eq3A_13 = arith.constant 15 : i32
    %eq3A_14 = arith.cmpi eq, %arg1, %eq3A_13 : i32
    %convert_element_type3A_15 = arith.extui %eq3A_14 : i1 to i32
    %cond3A_16 = arith.constant 0 : i32
    %cond3A_17 = arith.cmpi ne, %convert_element_type3A_15, %cond3A_16 : i32
    scf.if %cond3A_17 {
      "tpu.region"() ({
        %run_scoped3A = tpu.sem_alloc : memref<!tpu.dma_semaphore, #tpu.memory_space<semaphore_mem>>
        %dma_start3A = arith.constant 9984 : i32
        %dma_start3A_18 = arith.constant 0 : i32
        %dma_start3A_19 = tpu.memref_slice %arg5[%arg0, %dma_start3A, %dma_start3A_18] : memref<2x10000x128xf32, #tpu.memory_space<hbm>> -> memref<1x16x128xf32, #tpu.memory_space<hbm>>
        %dma_start3A_20 = tpu.memref_squeeze %dma_start3A_19 : memref<1x16x128xf32, #tpu.memory_space<hbm>> -> memref<16x128xf32, #tpu.memory_space<hbm>>
        %dma_start3A_21 = arith.constant 9984 : i32
        %dma_start3A_22 = arith.constant 0 : i32
        %dma_start3A_23 = tpu.memref_slice %arg8[%dma_start3A_21, %dma_start3A_22] : memref<10000x128xf32, #tpu.memory_space<vmem_shared>> -> memref<16x128xf32, #tpu.memory_space<vmem_shared>>
        tpu.enqueue_dma source(%dma_start3A_23 : memref<16x128xf32, #tpu.memory_space<vmem_shared>>) target(%dma_start3A_20 : memref<16x128xf32, #tpu.memory_space<hbm>>) target_semaphore(%run_scoped3A : memref<!tpu.dma_semaphore, #tpu.memory_space<semaphore_mem>>)
        %dma_wait3A = arith.constant 9984 : i32
        %dma_wait3A_24 = arith.constant 0 : i32
        %dma_wait3A_25 = tpu.memref_slice %arg5[%arg0, %dma_wait3A, %dma_wait3A_24] : memref<2x10000x128xf32, #tpu.memory_space<hbm>> -> memref<1x16x128xf32, #tpu.memory_space<hbm>>
        %dma_wait3A_26 = tpu.memref_squeeze %dma_wait3A_25 : memref<1x16x128xf32, #tpu.memory_space<hbm>> -> memref<16x128xf32, #tpu.memory_space<hbm>>
        %dma_wait3A_27 = arith.constant 9984 : i32
        %dma_wait3A_28 = arith.constant 0 : i32
        %dma_wait3A_29 = tpu.memref_slice %arg8[%dma_wait3A_27, %dma_wait3A_28] : memref<10000x128xf32, #tpu.memory_space<vmem_shared>> -> memref<16x128xf32, #tpu.memory_space<vmem_shared>>
        tpu.wait_dma2 semaphore(%run_scoped3A : memref<!tpu.dma_semaphore, #tpu.memory_space<semaphore_mem>>) src(%dma_wait3A_29 : memref<16x128xf32, #tpu.memory_space<vmem_shared>>) dst(%dma_wait3A_26 : memref<16x128xf32, #tpu.memory_space<hbm>>)
        tpu.yield
      }) : () -> ()
    } else {
    }
    return
  }
}

#map = affine_map<(d0, d1) -> (0, 0, 0)>
#map1 = affine_map<(d0, d1) -> (0, 0)>
module attributes {stable_mosaic.version = 14 : i64} {
  func.func @_sc_gather(%arg0: i32, %arg1: i32, %arg2: memref<32x125x80xi32, #tpu.memory_space<hbm>>, %arg3: memref<32x125x80xi32, #tpu.memory_space<hbm>>, %arg4: memref<10000x128xf32, #tpu.memory_space<hbm>>, %arg5: memref<10000x128xf32, #tpu.memory_space<hbm>>, %arg6: memref<320000x128xf32, #tpu.memory_space<hbm>>, %arg7: memref<320000x128xf32, #tpu.memory_space<hbm>>, %arg8: memref<125x80xi32, #tpu.memory_space<vmem>>, %arg9: memref<125x80xi32, #tpu.memory_space<vmem>>, %arg10: memref<80x128xf32, #tpu.memory_space<vmem>>, %arg11: memref<80x128xf32, #tpu.memory_space<vmem>>, %arg12: memref<!tpu.dma_semaphore, #tpu.memory_space<semaphore_mem>>, %arg13: memref<!tpu.dma_semaphore, #tpu.memory_space<semaphore_mem>>) attributes {dimension_semantics = [#tpu.dimension_semantics<core_parallel>, #tpu.dimension_semantics<subcore_parallel>], iteration_bounds = array<i64: 2, 16>, scalar_prefetch = 0 : i64, scratch_operands = 6 : i64, tpu.core_type = #tpu.core_type<sc_vector_subcore>, window_params = [{transform_indices = #map}, {transform_indices = #map}, {transform_indices = #map1}, {transform_indices = #map1}, {transform_indices = #map1}, {transform_indices = #map1}]} {
    %mul3A = arith.constant 16 : i32
    %mul3A_0 = arith.muli %arg0, %mul3A : i32
    %add3A = arith.addi %mul3A_0, %arg1 : i32
    %mul3A_1 = arith.constant 10000 : i32
    %mul3A_2 = arith.muli %add3A, %mul3A_1 : i32
    "tpu.region"() ({
      %run_scoped3A = tpu.sem_alloc : memref<!tpu.dma_semaphore, #tpu.memory_space<semaphore_mem>>
      %dma_start3A = arith.constant 0 : i32
      %dma_start3A_8 = arith.constant 0 : i32
      %dma_start3A_9 = tpu.memref_slice %arg2[%add3A, %dma_start3A, %dma_start3A_8] : memref<32x125x80xi32, #tpu.memory_space<hbm>> -> memref<1x125x80xi32, #tpu.memory_space<hbm>>
      %dma_start3A_10 = tpu.memref_squeeze %dma_start3A_9 : memref<1x125x80xi32, #tpu.memory_space<hbm>> -> memref<125x80xi32, #tpu.memory_space<hbm>>
      %dma_start3A_11 = arith.constant 0 : i32
      %dma_start3A_12 = arith.constant 0 : i32
      %dma_start3A_13 = tpu.memref_slice %arg2[%add3A, %dma_start3A_11, %dma_start3A_12] : memref<32x125x80xi32, #tpu.memory_space<hbm>> -> memref<1x125x80xi32, #tpu.memory_space<hbm>>
      %dma_start3A_14 = tpu.memref_squeeze %dma_start3A_13 : memref<1x125x80xi32, #tpu.memory_space<hbm>> -> memref<125x80xi32, #tpu.memory_space<hbm>>
      tpu.enqueue_dma source(%dma_start3A_14 : memref<125x80xi32, #tpu.memory_space<hbm>>) target(%arg8 : memref<125x80xi32, #tpu.memory_space<vmem>>) target_semaphore(%run_scoped3A : memref<!tpu.dma_semaphore, #tpu.memory_space<semaphore_mem>>)
      %dma_wait3A = arith.constant 0 : i32
      %dma_wait3A_15 = arith.constant 0 : i32
      %dma_wait3A_16 = tpu.memref_slice %arg2[%add3A, %dma_wait3A, %dma_wait3A_15] : memref<32x125x80xi32, #tpu.memory_space<hbm>> -> memref<1x125x80xi32, #tpu.memory_space<hbm>>
      %dma_wait3A_17 = tpu.memref_squeeze %dma_wait3A_16 : memref<1x125x80xi32, #tpu.memory_space<hbm>> -> memref<125x80xi32, #tpu.memory_space<hbm>>
      %dma_wait3A_18 = arith.constant 0 : i32
      %dma_wait3A_19 = arith.constant 0 : i32
      %dma_wait3A_20 = tpu.memref_slice %arg2[%add3A, %dma_wait3A_18, %dma_wait3A_19] : memref<32x125x80xi32, #tpu.memory_space<hbm>> -> memref<1x125x80xi32, #tpu.memory_space<hbm>>
      %dma_wait3A_21 = tpu.memref_squeeze %dma_wait3A_20 : memref<1x125x80xi32, #tpu.memory_space<hbm>> -> memref<125x80xi32, #tpu.memory_space<hbm>>
      tpu.wait_dma2 semaphore(%run_scoped3A : memref<!tpu.dma_semaphore, #tpu.memory_space<semaphore_mem>>) src(%dma_wait3A_21 : memref<125x80xi32, #tpu.memory_space<hbm>>) dst(%arg8 : memref<125x80xi32, #tpu.memory_space<vmem>>)
      tpu.yield
    }) : () -> ()
    "tpu.region"() ({
      %run_scoped3A = tpu.sem_alloc : memref<!tpu.dma_semaphore, #tpu.memory_space<semaphore_mem>>
      %dma_start3A = arith.constant 0 : i32
      %dma_start3A_8 = arith.constant 0 : i32
      %dma_start3A_9 = tpu.memref_slice %arg3[%add3A, %dma_start3A, %dma_start3A_8] : memref<32x125x80xi32, #tpu.memory_space<hbm>> -> memref<1x125x80xi32, #tpu.memory_space<hbm>>
      %dma_start3A_10 = tpu.memref_squeeze %dma_start3A_9 : memref<1x125x80xi32, #tpu.memory_space<hbm>> -> memref<125x80xi32, #tpu.memory_space<hbm>>
      %dma_start3A_11 = arith.constant 0 : i32
      %dma_start3A_12 = arith.constant 0 : i32
      %dma_start3A_13 = tpu.memref_slice %arg3[%add3A, %dma_start3A_11, %dma_start3A_12] : memref<32x125x80xi32, #tpu.memory_space<hbm>> -> memref<1x125x80xi32, #tpu.memory_space<hbm>>
      %dma_start3A_14 = tpu.memref_squeeze %dma_start3A_13 : memref<1x125x80xi32, #tpu.memory_space<hbm>> -> memref<125x80xi32, #tpu.memory_space<hbm>>
      tpu.enqueue_dma source(%dma_start3A_14 : memref<125x80xi32, #tpu.memory_space<hbm>>) target(%arg9 : memref<125x80xi32, #tpu.memory_space<vmem>>) target_semaphore(%run_scoped3A : memref<!tpu.dma_semaphore, #tpu.memory_space<semaphore_mem>>)
      %dma_wait3A = arith.constant 0 : i32
      %dma_wait3A_15 = arith.constant 0 : i32
      %dma_wait3A_16 = tpu.memref_slice %arg3[%add3A, %dma_wait3A, %dma_wait3A_15] : memref<32x125x80xi32, #tpu.memory_space<hbm>> -> memref<1x125x80xi32, #tpu.memory_space<hbm>>
      %dma_wait3A_17 = tpu.memref_squeeze %dma_wait3A_16 : memref<1x125x80xi32, #tpu.memory_space<hbm>> -> memref<125x80xi32, #tpu.memory_space<hbm>>
      %dma_wait3A_18 = arith.constant 0 : i32
      %dma_wait3A_19 = arith.constant 0 : i32
      %dma_wait3A_20 = tpu.memref_slice %arg3[%add3A, %dma_wait3A_18, %dma_wait3A_19] : memref<32x125x80xi32, #tpu.memory_space<hbm>> -> memref<1x125x80xi32, #tpu.memory_space<hbm>>
      %dma_wait3A_21 = tpu.memref_squeeze %dma_wait3A_20 : memref<1x125x80xi32, #tpu.memory_space<hbm>> -> memref<125x80xi32, #tpu.memory_space<hbm>>
      tpu.wait_dma2 semaphore(%run_scoped3A : memref<!tpu.dma_semaphore, #tpu.memory_space<semaphore_mem>>) src(%dma_wait3A_21 : memref<125x80xi32, #tpu.memory_space<hbm>>) dst(%arg9 : memref<125x80xi32, #tpu.memory_space<vmem>>)
      tpu.yield
    }) : () -> ()
    %scan3A = arith.constant 0 : i32
    %scan3A_3 = arith.constant 0 : i32
    %scan3A_4 = arith.constant 125 : i32
    %scan3A_5 = arith.addi %scan3A_3, %scan3A_4 : i32
    %scan3A_6 = arith.constant 1 : i32
    scf.for %scan3A_8 = %scan3A_3 to %scan3A_5 step %scan3A_6  : i32 {
      %dma_start3A = arith.constant 0 : i32
      %dma_start3A_9 = tpu.memref_slice %arg8[%scan3A_8, %dma_start3A] : memref<125x80xi32, #tpu.memory_space<vmem>> -> memref<1x80xi32, #tpu.memory_space<vmem>>
      %dma_start3A_10 = tpu.memref_squeeze %dma_start3A_9 : memref<1x80xi32, #tpu.memory_space<vmem>> -> memref<80xi32, #tpu.memory_space<vmem>>
      %dma_start3A_11 = arith.constant 0 : i32
      %dma_start3A_12 = arith.constant 0 : i32
      %dma_start3A_13 = tpu.memref_slice %arg4[%dma_start3A_11, %dma_start3A_12] : memref<10000x128xf32, #tpu.memory_space<hbm>> -> memref<10000x128xf32, #tpu.memory_space<hbm>>
      tpu.enqueue_indirect_dma source(%dma_start3A_13 : memref<10000x128xf32, #tpu.memory_space<hbm>>) target(%arg10 : memref<80x128xf32, #tpu.memory_space<vmem>>) offsets(%dma_start3A_10 : memref<80xi32, #tpu.memory_space<vmem>>) semaphore(%arg12 : memref<!tpu.dma_semaphore, #tpu.memory_space<semaphore_mem>>)
      %dma_start3A_14 = arith.constant 0 : i32
      %dma_start3A_15 = tpu.memref_slice %arg9[%scan3A_8, %dma_start3A_14] : memref<125x80xi32, #tpu.memory_space<vmem>> -> memref<1x80xi32, #tpu.memory_space<vmem>>
      %dma_start3A_16 = tpu.memref_squeeze %dma_start3A_15 : memref<1x80xi32, #tpu.memory_space<vmem>> -> memref<80xi32, #tpu.memory_space<vmem>>
      %dma_start3A_17 = arith.constant 0 : i32
      %dma_start3A_18 = arith.constant 0 : i32
      %dma_start3A_19 = tpu.memref_slice %arg5[%dma_start3A_17, %dma_start3A_18] : memref<10000x128xf32, #tpu.memory_space<hbm>> -> memref<10000x128xf32, #tpu.memory_space<hbm>>
      tpu.enqueue_indirect_dma source(%dma_start3A_19 : memref<10000x128xf32, #tpu.memory_space<hbm>>) target(%arg11 : memref<80x128xf32, #tpu.memory_space<vmem>>) offsets(%dma_start3A_16 : memref<80xi32, #tpu.memory_space<vmem>>) semaphore(%arg13 : memref<!tpu.dma_semaphore, #tpu.memory_space<semaphore_mem>>)
      %dma_wait3A = arith.constant 0 : i32
      %dma_wait3A_20 = tpu.memref_slice %arg8[%scan3A_8, %dma_wait3A] : memref<125x80xi32, #tpu.memory_space<vmem>> -> memref<1x80xi32, #tpu.memory_space<vmem>>
      %dma_wait3A_21 = tpu.memref_squeeze %dma_wait3A_20 : memref<1x80xi32, #tpu.memory_space<vmem>> -> memref<80xi32, #tpu.memory_space<vmem>>
      %dma_wait3A_22 = arith.constant 0 : i32
      %dma_wait3A_23 = arith.constant 0 : i32
      %dma_wait3A_24 = tpu.memref_slice %arg4[%dma_wait3A_22, %dma_wait3A_23] : memref<10000x128xf32, #tpu.memory_space<hbm>> -> memref<10000x128xf32, #tpu.memory_space<hbm>>
      tpu.wait_indirect_dma semaphore(%arg12 : memref<!tpu.dma_semaphore, #tpu.memory_space<semaphore_mem>>) src(%dma_wait3A_24 : memref<10000x128xf32, #tpu.memory_space<hbm>>) dst(%arg10 : memref<80x128xf32, #tpu.memory_space<vmem>>)
      %dma_wait3A_25 = arith.constant 0 : i32
      %dma_wait3A_26 = tpu.memref_slice %arg9[%scan3A_8, %dma_wait3A_25] : memref<125x80xi32, #tpu.memory_space<vmem>> -> memref<1x80xi32, #tpu.memory_space<vmem>>
      %dma_wait3A_27 = tpu.memref_squeeze %dma_wait3A_26 : memref<1x80xi32, #tpu.memory_space<vmem>> -> memref<80xi32, #tpu.memory_space<vmem>>
      %dma_wait3A_28 = arith.constant 0 : i32
      %dma_wait3A_29 = arith.constant 0 : i32
      %dma_wait3A_30 = tpu.memref_slice %arg5[%dma_wait3A_28, %dma_wait3A_29] : memref<10000x128xf32, #tpu.memory_space<hbm>> -> memref<10000x128xf32, #tpu.memory_space<hbm>>
      tpu.wait_indirect_dma semaphore(%arg13 : memref<!tpu.dma_semaphore, #tpu.memory_space<semaphore_mem>>) src(%dma_wait3A_30 : memref<10000x128xf32, #tpu.memory_space<hbm>>) dst(%arg11 : memref<80x128xf32, #tpu.memory_space<vmem>>)
      %mul3A_31 = arith.constant 80 : i32
      %mul3A_32 = arith.muli %scan3A_8, %mul3A_31 : i32
      %add3A_33 = arith.addi %mul3A_2, %mul3A_32 : i32
      "tpu.region"() ({
        %run_scoped3A = tpu.sem_alloc : memref<!tpu.dma_semaphore, #tpu.memory_space<semaphore_mem>>
        %dma_start3A_37 = arith.constant 0 : i32
        %dma_start3A_38 = tpu.memref_slice %arg6[%add3A_33, %dma_start3A_37] : memref<320000x128xf32, #tpu.memory_space<hbm>> -> memref<80x128xf32, #tpu.memory_space<hbm>>
        %dma_start3A_39 = arith.constant 0 : i32
        %dma_start3A_40 = tpu.memref_slice %arg6[%add3A_33, %dma_start3A_39] : memref<320000x128xf32, #tpu.memory_space<hbm>> -> memref<80x128xf32, #tpu.memory_space<hbm>>
        tpu.enqueue_dma source(%arg10 : memref<80x128xf32, #tpu.memory_space<vmem>>) target(%dma_start3A_40 : memref<80x128xf32, #tpu.memory_space<hbm>>) target_semaphore(%run_scoped3A : memref<!tpu.dma_semaphore, #tpu.memory_space<semaphore_mem>>)
        %dma_wait3A_41 = arith.constant 0 : i32
        %dma_wait3A_42 = tpu.memref_slice %arg6[%add3A_33, %dma_wait3A_41] : memref<320000x128xf32, #tpu.memory_space<hbm>> -> memref<80x128xf32, #tpu.memory_space<hbm>>
        %dma_wait3A_43 = arith.constant 0 : i32
        %dma_wait3A_44 = tpu.memref_slice %arg6[%add3A_33, %dma_wait3A_43] : memref<320000x128xf32, #tpu.memory_space<hbm>> -> memref<80x128xf32, #tpu.memory_space<hbm>>
        tpu.wait_dma2 semaphore(%run_scoped3A : memref<!tpu.dma_semaphore, #tpu.memory_space<semaphore_mem>>) src(%arg10 : memref<80x128xf32, #tpu.memory_space<vmem>>) dst(%dma_wait3A_44 : memref<80x128xf32, #tpu.memory_space<hbm>>)
        tpu.yield
      }) : () -> ()
      %mul3A_34 = arith.constant 80 : i32
      %mul3A_35 = arith.muli %scan3A_8, %mul3A_34 : i32
      %add3A_36 = arith.addi %mul3A_2, %mul3A_35 : i32
      "tpu.region"() ({
        %run_scoped3A = tpu.sem_alloc : memref<!tpu.dma_semaphore, #tpu.memory_space<semaphore_mem>>
        %dma_start3A_37 = arith.constant 0 : i32
        %dma_start3A_38 = tpu.memref_slice %arg7[%add3A_36, %dma_start3A_37] : memref<320000x128xf32, #tpu.memory_space<hbm>> -> memref<80x128xf32, #tpu.memory_space<hbm>>
        %dma_start3A_39 = arith.constant 0 : i32
        %dma_start3A_40 = tpu.memref_slice %arg7[%add3A_36, %dma_start3A_39] : memref<320000x128xf32, #tpu.memory_space<hbm>> -> memref<80x128xf32, #tpu.memory_space<hbm>>
        tpu.enqueue_dma source(%arg11 : memref<80x128xf32, #tpu.memory_space<vmem>>) target(%dma_start3A_40 : memref<80x128xf32, #tpu.memory_space<hbm>>) target_semaphore(%run_scoped3A : memref<!tpu.dma_semaphore, #tpu.memory_space<semaphore_mem>>)
        %dma_wait3A_41 = arith.constant 0 : i32
        %dma_wait3A_42 = tpu.memref_slice %arg7[%add3A_36, %dma_wait3A_41] : memref<320000x128xf32, #tpu.memory_space<hbm>> -> memref<80x128xf32, #tpu.memory_space<hbm>>
        %dma_wait3A_43 = arith.constant 0 : i32
        %dma_wait3A_44 = tpu.memref_slice %arg7[%add3A_36, %dma_wait3A_43] : memref<320000x128xf32, #tpu.memory_space<hbm>> -> memref<80x128xf32, #tpu.memory_space<hbm>>
        tpu.wait_dma2 semaphore(%run_scoped3A : memref<!tpu.dma_semaphore, #tpu.memory_space<semaphore_mem>>) src(%arg11 : memref<80x128xf32, #tpu.memory_space<vmem>>) dst(%dma_wait3A_44 : memref<80x128xf32, #tpu.memory_space<hbm>>)
        tpu.yield
      }) : () -> ()
    }
    %scan3A_7 = arith.constant 125 : i32
    return
  }
}

module attributes {stable_mosaic.version = 14 : i64} {
  func.func @_premix_body(%arg0: i32, %arg1: memref<1000x128xf32, #tpu.memory_space<vmem>>, %arg2: memref<128x128xf32, #tpu.memory_space<vmem>>, %arg3: memref<128x128xf32, #tpu.memory_space<vmem>>, %arg4: memref<1x128xf32, #tpu.memory_space<vmem>>, %arg5: memref<1000x128xf32, #tpu.memory_space<vmem>>, %arg6: memref<1000x128xf32, #tpu.memory_space<vmem>>) attributes {dimension_semantics = [#tpu.dimension_semantics<arbitrary>], iteration_bounds = array<i64: 10>, scalar_prefetch = 0 : i64, scratch_operands = 0 : i64, tpu.core_type = #tpu.core_type<tc>, window_params = [{transform_indices = @transform_0, window_bounds = array<i64: 1000, 128>}, {pipeline_mode = #tpu.pipeline_mode<synchronous>, transform_indices = @transform_1, window_bounds = array<i64: 128, 128>}, {pipeline_mode = #tpu.pipeline_mode<synchronous>, transform_indices = @transform_2, window_bounds = array<i64: 128, 128>}, {pipeline_mode = #tpu.pipeline_mode<synchronous>, transform_indices = @transform_3, window_bounds = array<i64: 1, 128>}, {transform_indices = @transform_4, window_bounds = array<i64: 1000, 128>}, {transform_indices = @transform_5, window_bounds = array<i64: 1000, 128>}]} {
    %get3A = arith.constant 0 : index
    %get3A_0 = arith.constant 0 : index
    %get3A_1 = vector.load %arg1[%get3A, %get3A_0] : memref<1000x128xf32, #tpu.memory_space<vmem>>, vector<1000x128xf32>
    %get3A_2 = arith.constant 0 : index
    %get3A_3 = arith.constant 0 : index
    %get3A_4 = vector.load %arg2[%get3A_2, %get3A_3] : memref<128x128xf32, #tpu.memory_space<vmem>>, vector<128x128xf32>
    %dot_general3A = arith.constant dense<0.000000e+00> : vector<1000x128xf32>
    %dot_general3A_5 = tpu.matmul %get3A_1, %get3A_4, %dot_general3A {dimension_numbers = #tpu.dot_dimension_numbers<[1], [0], [0], [1], [0, 0, 1, 1], [], []>, transpose_lhs_hint = false} : vector<1000x128xf32>, vector<128x128xf32>, vector<1000x128xf32> -> vector<1000x128xf32>
    %swap3A = arith.constant 0 : index
    %swap3A_6 = arith.constant 0 : index
    %swap3A_7 = vector.load %arg5[%swap3A, %swap3A_6] : memref<1000x128xf32, #tpu.memory_space<vmem>>, vector<1000x128xf32>
    tpu.vector_store %arg5[%swap3A, %swap3A_6], %dot_general3A_5 {strides = array<i32>} : memref<1000x128xf32, #tpu.memory_space<vmem>>, vector<1000x128xf32>,
    %get3A_8 = arith.constant 0 : index
    %get3A_9 = arith.constant 0 : index
    %get3A_10 = vector.load %arg3[%get3A_8, %get3A_9] : memref<128x128xf32, #tpu.memory_space<vmem>>, vector<128x128xf32>
    %dot_general3A_11 = arith.constant dense<0.000000e+00> : vector<1000x128xf32>
    %dot_general3A_12 = tpu.matmul %get3A_1, %get3A_10, %dot_general3A_11 {dimension_numbers = #tpu.dot_dimension_numbers<[1], [0], [0], [1], [0, 0, 1, 1], [], []>, transpose_lhs_hint = false} : vector<1000x128xf32>, vector<128x128xf32>, vector<1000x128xf32> -> vector<1000x128xf32>
    %get3A_13 = arith.constant 0 : index
    %get3A_14 = arith.constant 0 : index
    %get3A_15 = vector.load %arg4[%get3A_13, %get3A_14] : memref<1x128xf32, #tpu.memory_space<vmem>>, vector<1x128xf32>
    %add3A = vector.broadcast %get3A_15 : vector<1x128xf32> to vector<1000x128xf32>
    %add3A_16 = arith.addf %dot_general3A_12, %add3A : vector<1000x128xf32>
    %swap3A_17 = arith.constant 0 : index
    %swap3A_18 = arith.constant 0 : index
    %swap3A_19 = vector.load %arg6[%swap3A_17, %swap3A_18] : memref<1000x128xf32, #tpu.memory_space<vmem>>, vector<1000x128xf32>
    tpu.vector_store %arg6[%swap3A_17, %swap3A_18], %add3A_16 {strides = array<i32>} : memref<1000x128xf32, #tpu.memory_space<vmem>>, vector<1000x128xf32>,
    return
  }
  func.func @transform_0(%arg0: i32) -> (i32, i32) {
    %c0_i32 = arith.constant 0 : i32
    %c0_i32_0 = arith.constant 0 : i32
    return %arg0, %c0_i32 : i32, i32
  }
  func.func @transform_1(%arg0: i32) -> (i32, i32) {
    %c0_i32 = arith.constant 0 : i32
    %c0_i32_0 = arith.constant 0 : i32
    %c0_i32_1 = arith.constant 0 : i32
    return %c0_i32, %c0_i32_0 : i32, i32
  }
  func.func @transform_2(%arg0: i32) -> (i32, i32) {
    %c0_i32 = arith.constant 0 : i32
    %c0_i32_0 = arith.constant 0 : i32
    %c0_i32_1 = arith.constant 0 : i32
    return %c0_i32, %c0_i32_0 : i32, i32
  }
  func.func @transform_3(%arg0: i32) -> (i32, i32) {
    %c0_i32 = arith.constant 0 : i32
    %c0_i32_0 = arith.constant 0 : i32
    %c0_i32_1 = arith.constant 0 : i32
    return %c0_i32, %c0_i32_0 : i32, i32
  }
  func.func @transform_4(%arg0: i32) -> (i32, i32) {
    %c0_i32 = arith.constant 0 : i32
    %c0_i32_0 = arith.constant 0 : i32
    return %arg0, %c0_i32 : i32, i32
  }
  func.func @transform_5(%arg0: i32) -> (i32, i32) {
    %c0_i32 = arith.constant 0 : i32
    %c0_i32_0 = arith.constant 0 : i32
    return %arg0, %c0_i32 : i32, i32
  }
}

module attributes {stable_mosaic.version = 14 : i64} {
  func.func @_edge_body(%arg0: i32, %arg1: memref<3200x128xf32, #tpu.memory_space<vmem>>, %arg2: memref<3200x128xf32, #tpu.memory_space<vmem>>, %arg3: memref<3200x16xf32, #tpu.memory_space<vmem>>, %arg4: memref<16x128xf32, #tpu.memory_space<vmem>>, %arg5: memref<128x128xf32, #tpu.memory_space<vmem>>, %arg6: memref<1x128xf32, #tpu.memory_space<vmem>>, %arg7: memref<3200x128xf32, #tpu.memory_space<vmem>>) attributes {dimension_semantics = [#tpu.dimension_semantics<arbitrary>], iteration_bounds = array<i64: 100>, scalar_prefetch = 0 : i64, scratch_operands = 0 : i64, tpu.core_type = #tpu.core_type<tc>, window_params = [{transform_indices = @transform_0, window_bounds = array<i64: 3200, 128>}, {transform_indices = @transform_1, window_bounds = array<i64: 3200, 128>}, {transform_indices = @transform_2, window_bounds = array<i64: 3200, 16>}, {pipeline_mode = #tpu.pipeline_mode<synchronous>, transform_indices = @transform_3, window_bounds = array<i64: 16, 128>}, {pipeline_mode = #tpu.pipeline_mode<synchronous>, transform_indices = @transform_4, window_bounds = array<i64: 128, 128>}, {pipeline_mode = #tpu.pipeline_mode<synchronous>, transform_indices = @transform_5, window_bounds = array<i64: 1, 128>}, {transform_indices = @transform_6, window_bounds = array<i64: 3200, 128>}]} {
    %get3A = arith.constant 0 : index
    %get3A_0 = arith.constant 0 : index
    %get3A_1 = vector.load %arg1[%get3A, %get3A_0] : memref<3200x128xf32, #tpu.memory_space<vmem>>, vector<3200x128xf32>
    %get3A_2 = arith.constant 0 : index
    %get3A_3 = arith.constant 0 : index
    %get3A_4 = vector.load %arg2[%get3A_2, %get3A_3] : memref<3200x128xf32, #tpu.memory_space<vmem>>, vector<3200x128xf32>
    %add3A = arith.addf %get3A_1, %get3A_4 : vector<3200x128xf32>
    %get3A_5 = arith.constant 0 : index
    %get3A_6 = arith.constant 0 : index
    %get3A_7 = vector.load %arg3[%get3A_5, %get3A_6] : memref<3200x16xf32, #tpu.memory_space<vmem>>, vector<3200x16xf32>
    %get3A_8 = arith.constant 0 : index
    %get3A_9 = arith.constant 0 : index
    %get3A_10 = vector.load %arg4[%get3A_8, %get3A_9] : memref<16x128xf32, #tpu.memory_space<vmem>>, vector<16x128xf32>
    %dot_general3A = arith.constant dense<0.000000e+00> : vector<3200x128xf32>
    %dot_general3A_11 = tpu.matmul %get3A_7, %get3A_10, %dot_general3A {dimension_numbers = #tpu.dot_dimension_numbers<[1], [0], [0], [1], [0, 0, 1, 1], [], []>, transpose_lhs_hint = false} : vector<3200x16xf32>, vector<16x128xf32>, vector<3200x128xf32> -> vector<3200x128xf32>
    %add3A_12 = arith.addf %add3A, %dot_general3A_11 : vector<3200x128xf32>
    %max3A = arith.constant 0.000000e+00 : f32
    %max3A_13 = vector.broadcast %max3A : f32 to vector<3200x128xf32>
    %max3A_14 = arith.maximumf %add3A_12, %max3A_13 : vector<3200x128xf32>
    %get3A_15 = arith.constant 0 : index
    %get3A_16 = arith.constant 0 : index
    %get3A_17 = vector.load %arg5[%get3A_15, %get3A_16] : memref<128x128xf32, #tpu.memory_space<vmem>>, vector<128x128xf32>
    %dot_general3A_18 = arith.constant dense<0.000000e+00> : vector<3200x128xf32>
    %dot_general3A_19 = tpu.matmul %max3A_14, %get3A_17, %dot_general3A_18 {dimension_numbers = #tpu.dot_dimension_numbers<[1], [0], [0], [1], [0, 0, 1, 1], [], []>, transpose_lhs_hint = false} : vector<3200x128xf32>, vector<128x128xf32>, vector<3200x128xf32> -> vector<3200x128xf32>
    %get3A_20 = arith.constant 0 : index
    %get3A_21 = arith.constant 0 : index
    %get3A_22 = vector.load %arg6[%get3A_20, %get3A_21] : memref<1x128xf32, #tpu.memory_space<vmem>>, vector<1x128xf32>
    %add3A_23 = vector.broadcast %get3A_22 : vector<1x128xf32> to vector<3200x128xf32>
    %add3A_24 = arith.addf %dot_general3A_19, %add3A_23 : vector<3200x128xf32>
    %max3A_25 = arith.constant 0.000000e+00 : f32
    %max3A_26 = vector.broadcast %max3A_25 : f32 to vector<3200x128xf32>
    %max3A_27 = arith.maximumf %add3A_24, %max3A_26 : vector<3200x128xf32>
    %swap3A = arith.constant 0 : index
    %swap3A_28 = arith.constant 0 : index
    %swap3A_29 = vector.load %arg7[%swap3A, %swap3A_28] : memref<3200x128xf32, #tpu.memory_space<vmem>>, vector<3200x128xf32>
    tpu.vector_store %arg7[%swap3A, %swap3A_28], %max3A_27 {strides = array<i32>} : memref<3200x128xf32, #tpu.memory_space<vmem>>, vector<3200x128xf32>,
    return
  }
  func.func @transform_0(%arg0: i32) -> (i32, i32) {
    %c0_i32 = arith.constant 0 : i32
    %c0_i32_0 = arith.constant 0 : i32
    return %arg0, %c0_i32 : i32, i32
  }
  func.func @transform_1(%arg0: i32) -> (i32, i32) {
    %c0_i32 = arith.constant 0 : i32
    %c0_i32_0 = arith.constant 0 : i32
    return %arg0, %c0_i32 : i32, i32
  }
  func.func @transform_2(%arg0: i32) -> (i32, i32) {
    %c0_i32 = arith.constant 0 : i32
    %c0_i32_0 = arith.constant 0 : i32
    return %arg0, %c0_i32 : i32, i32
  }
  func.func @transform_3(%arg0: i32) -> (i32, i32) {
    %c0_i32 = arith.constant 0 : i32
    %c0_i32_0 = arith.constant 0 : i32
    %c0_i32_1 = arith.constant 0 : i32
    return %c0_i32, %c0_i32_0 : i32, i32
  }
  func.func @transform_4(%arg0: i32) -> (i32, i32) {
    %c0_i32 = arith.constant 0 : i32
    %c0_i32_0 = arith.constant 0 : i32
    %c0_i32_1 = arith.constant 0 : i32
    return %c0_i32, %c0_i32_0 : i32, i32
  }
  func.func @transform_5(%arg0: i32) -> (i32, i32) {
    %c0_i32 = arith.constant 0 : i32
    %c0_i32_0 = arith.constant 0 : i32
    %c0_i32_1 = arith.constant 0 : i32
    return %c0_i32, %c0_i32_0 : i32, i32
  }
  func.func @transform_6(%arg0: i32) -> (i32, i32) {
    %c0_i32 = arith.constant 0 : i32
    %c0_i32_0 = arith.constant 0 : i32
    return %arg0, %c0_i32 : i32, i32
  }
}

module attributes {stable_mosaic.version = 14 : i64} {
  func.func @_node_body(%arg0: i32, %arg1: memref<1000x128xf32, #tpu.memory_space<vmem>>, %arg2: memref<1000x128xf32, #tpu.memory_space<vmem>>, %arg3: memref<1000x128xf32, #tpu.memory_space<vmem>>, %arg4: memref<128x128xf32, #tpu.memory_space<vmem>>, %arg5: memref<128x128xf32, #tpu.memory_space<vmem>>, %arg6: memref<1x128xf32, #tpu.memory_space<vmem>>, %arg7: memref<128x128xf32, #tpu.memory_space<vmem>>, %arg8: memref<1x128xf32, #tpu.memory_space<vmem>>, %arg9: memref<1000x128xf32, #tpu.memory_space<vmem>>) attributes {dimension_semantics = [#tpu.dimension_semantics<arbitrary>], iteration_bounds = array<i64: 10>, scalar_prefetch = 0 : i64, scratch_operands = 0 : i64, tpu.core_type = #tpu.core_type<tc>, window_params = [{transform_indices = @transform_0, window_bounds = array<i64: 1000, 128>}, {transform_indices = @transform_1, window_bounds = array<i64: 1000, 128>}, {transform_indices = @transform_2, window_bounds = array<i64: 1000, 128>}, {pipeline_mode = #tpu.pipeline_mode<synchronous>, transform_indices = @transform_3, window_bounds = array<i64: 128, 128>}, {pipeline_mode = #tpu.pipeline_mode<synchronous>, transform_indices = @transform_4, window_bounds = array<i64: 128, 128>}, {pipeline_mode = #tpu.pipeline_mode<synchronous>, transform_indices = @transform_5, window_bounds = array<i64: 1, 128>}, {pipeline_mode = #tpu.pipeline_mode<synchronous>, transform_indices = @transform_6, window_bounds = array<i64: 128, 128>}, {pipeline_mode = #tpu.pipeline_mode<synchronous>, transform_indices = @transform_7, window_bounds = array<i64: 1, 128>}, {transform_indices = @transform_8, window_bounds = array<i64: 1000, 128>}]} {
    %get3A = arith.constant 0 : index
    %get3A_0 = arith.constant 0 : index
    %get3A_1 = vector.load %arg2[%get3A, %get3A_0] : memref<1000x128xf32, #tpu.memory_space<vmem>>, vector<1000x128xf32>
    %get3A_2 = arith.constant 0 : index
    %get3A_3 = arith.constant 0 : index
    %get3A_4 = vector.load %arg3[%get3A_2, %get3A_3] : memref<1000x128xf32, #tpu.memory_space<vmem>>, vector<1000x128xf32>
    %add3A = arith.addf %get3A_1, %get3A_4 : vector<1000x128xf32>
    %get3A_5 = arith.constant 0 : index
    %get3A_6 = arith.constant 0 : index
    %get3A_7 = vector.load %arg1[%get3A_5, %get3A_6] : memref<1000x128xf32, #tpu.memory_space<vmem>>, vector<1000x128xf32>
    %get3A_8 = arith.constant 0 : index
    %get3A_9 = arith.constant 0 : index
    %get3A_10 = vector.load %arg4[%get3A_8, %get3A_9] : memref<128x128xf32, #tpu.memory_space<vmem>>, vector<128x128xf32>
    %dot_general3A = arith.constant dense<0.000000e+00> : vector<1000x128xf32>
    %dot_general3A_11 = tpu.matmul %get3A_7, %get3A_10, %dot_general3A {dimension_numbers = #tpu.dot_dimension_numbers<[1], [0], [0], [1], [0, 0, 1, 1], [], []>, transpose_lhs_hint = false} : vector<1000x128xf32>, vector<128x128xf32>, vector<1000x128xf32> -> vector<1000x128xf32>
    %get3A_12 = arith.constant 0 : index
    %get3A_13 = arith.constant 0 : index
    %get3A_14 = vector.load %arg5[%get3A_12, %get3A_13] : memref<128x128xf32, #tpu.memory_space<vmem>>, vector<128x128xf32>
    %dot_general3A_15 = arith.constant dense<0.000000e+00> : vector<1000x128xf32>
    %dot_general3A_16 = tpu.matmul %add3A, %get3A_14, %dot_general3A_15 {dimension_numbers = #tpu.dot_dimension_numbers<[1], [0], [0], [1], [0, 0, 1, 1], [], []>, transpose_lhs_hint = false} : vector<1000x128xf32>, vector<128x128xf32>, vector<1000x128xf32> -> vector<1000x128xf32>
    %add3A_17 = arith.addf %dot_general3A_11, %dot_general3A_16 : vector<1000x128xf32>
    %get3A_18 = arith.constant 0 : index
    %get3A_19 = arith.constant 0 : index
    %get3A_20 = vector.load %arg6[%get3A_18, %get3A_19] : memref<1x128xf32, #tpu.memory_space<vmem>>, vector<1x128xf32>
    %add3A_21 = vector.broadcast %get3A_20 : vector<1x128xf32> to vector<1000x128xf32>
    %add3A_22 = arith.addf %add3A_17, %add3A_21 : vector<1000x128xf32>
    %max3A = arith.constant 0.000000e+00 : f32
    %max3A_23 = vector.broadcast %max3A : f32 to vector<1000x128xf32>
    %max3A_24 = arith.maximumf %add3A_22, %max3A_23 : vector<1000x128xf32>
    %get3A_25 = arith.constant 0 : index
    %get3A_26 = arith.constant 0 : index
    %get3A_27 = vector.load %arg7[%get3A_25, %get3A_26] : memref<128x128xf32, #tpu.memory_space<vmem>>, vector<128x128xf32>
    %dot_general3A_28 = arith.constant dense<0.000000e+00> : vector<1000x128xf32>
    %dot_general3A_29 = tpu.matmul %max3A_24, %get3A_27, %dot_general3A_28 {dimension_numbers = #tpu.dot_dimension_numbers<[1], [0], [0], [1], [0, 0, 1, 1], [], []>, transpose_lhs_hint = false} : vector<1000x128xf32>, vector<128x128xf32>, vector<1000x128xf32> -> vector<1000x128xf32>
    %get3A_30 = arith.constant 0 : index
    %get3A_31 = arith.constant 0 : index
    %get3A_32 = vector.load %arg8[%get3A_30, %get3A_31] : memref<1x128xf32, #tpu.memory_space<vmem>>, vector<1x128xf32>
    %add3A_33 = vector.broadcast %get3A_32 : vector<1x128xf32> to vector<1000x128xf32>
    %add3A_34 = arith.addf %dot_general3A_29, %add3A_33 : vector<1000x128xf32>
    %max3A_35 = arith.constant 0.000000e+00 : f32
    %max3A_36 = vector.broadcast %max3A_35 : f32 to vector<1000x128xf32>
    %max3A_37 = arith.maximumf %add3A_34, %max3A_36 : vector<1000x128xf32>
    %swap3A = arith.constant 0 : index
    %swap3A_38 = arith.constant 0 : index
    %swap3A_39 = vector.load %arg9[%swap3A, %swap3A_38] : memref<1000x128xf32, #tpu.memory_space<vmem>>, vector<1000x128xf32>
    tpu.vector_store %arg9[%swap3A, %swap3A_38], %max3A_37 {strides = array<i32>} : memref<1000x128xf32, #tpu.memory_space<vmem>>, vector<1000x128xf32>,
    return
  }
  func.func @transform_0(%arg0: i32) -> (i32, i32) {
    %c0_i32 = arith.constant 0 : i32
    %c0_i32_0 = arith.constant 0 : i32
    return %arg0, %c0_i32 : i32, i32
  }
  func.func @transform_1(%arg0: i32) -> (i32, i32) {
    %c0_i32 = arith.constant 0 : i32
    %c0_i32_0 = arith.constant 0 : i32
    return %arg0, %c0_i32 : i32, i32
  }
  func.func @transform_2(%arg0: i32) -> (i32, i32) {
    %c0_i32 = arith.constant 0 : i32
    %c0_i32_0 = arith.constant 0 : i32
    return %arg0, %c0_i32 : i32, i32
  }
  func.func @transform_3(%arg0: i32) -> (i32, i32) {
    %c0_i32 = arith.constant 0 : i32
    %c0_i32_0 = arith.constant 0 : i32
    %c0_i32_1 = arith.constant 0 : i32
    return %c0_i32, %c0_i32_0 : i32, i32
  }
  func.func @transform_4(%arg0: i32) -> (i32, i32) {
    %c0_i32 = arith.constant 0 : i32
    %c0_i32_0 = arith.constant 0 : i32
    %c0_i32_1 = arith.constant 0 : i32
    return %c0_i32, %c0_i32_0 : i32, i32
  }
  func.func @transform_5(%arg0: i32) -> (i32, i32) {
    %c0_i32 = arith.constant 0 : i32
    %c0_i32_0 = arith.constant 0 : i32
    %c0_i32_1 = arith.constant 0 : i32
    return %c0_i32, %c0_i32_0 : i32, i32
  }
  func.func @transform_6(%arg0: i32) -> (i32, i32) {
    %c0_i32 = arith.constant 0 : i32
    %c0_i32_0 = arith.constant 0 : i32
    %c0_i32_1 = arith.constant 0 : i32
    return %c0_i32, %c0_i32_0 : i32, i32
  }
  func.func @transform_7(%arg0: i32) -> (i32, i32) {
    %c0_i32 = arith.constant 0 : i32
    %c0_i32_0 = arith.constant 0 : i32
    %c0_i32_1 = arith.constant 0 : i32
    return %c0_i32, %c0_i32_0 : i32, i32
  }
  func.func @transform_8(%arg0: i32) -> (i32, i32) {
    %c0_i32 = arith.constant 0 : i32
    %c0_i32_0 = arith.constant 0 : i32
    return %arg0, %c0_i32 : i32, i32
  }
}

</mosaic_0001>

<sc_bundles>
// kernel: kernel.10.cloned.1.call-start
scs
__scs_entry_jumppad:
0x0: {  	(pc) =	sbr.rel $0x88, $3  }
0x1: {  	(tag) =	ssettag $0x0;
	lr =	simm.s32 $0x1  }
0x2: {  	[smem:$0x3F96] =	sst lr;
	_ =	strace $0xD0000000  }
0x3: {  	_ = 	snop  }
0x4: {  	_ = 	snop  }
0x5: {  	_ = 	snop  }
0x6: {  	_ = 	snop  }
0x7: {  	_ = 	snop  }
__scs_overlays_trampoline_lowered:
0x8: {  	[smem:$0x3FA5] =	sst s0  }
0x9: {  	[smem:$0x3FA6] =	sst s1  }
0xa: {  	[smem:$0x3FA7] =	sst s2  }
0xb: {  	[smem:$0x3FA8] =	sst s3  }
0xc: {  	[smem:$0x3FA9] =	sst s4  }
0xd: {  	[smem:$0x3FAA] =	sst s5  }
0xe: {  	[smem:$0x3FAB] =	sst s6  }
0xf: {  	[smem:$0x3FAC] =	sst s7  }
0x10: {  	[smem:$0x3FAD] =	sst s8  }
0x11: {  	[smem:$0x3FAE] =	sst s9;
	s0 =	simm.s32 @!p0 $0x0  }
0x12: {  	s1 =	sld [smem:$0x3F94];
	s0 =	simm.s32 @p0 $0x1  }
0x13: {  	[smem:$0x3FAF] =	sst s0;
	s0 =	simm.s32 @!p1 $0x0  }
0x14: {  	s2 =	sld [smem:$0x3F93];
	s0 =	simm.s32 @p1 $0x1  }
0x15: {  	[smem:$0x3FB0] =	sst s0;
	s0 =	simm.s32 @!p2 $0x0  }
0x16: {  	s3 =	sld [smem:$0x3FDB];
	s0 =	simm.s32 @p2 $0x1  }
0x17: {  	s4 =	simm.s32 $0x1BF5;
	[smem:$0x3FB2] =	sst s0  }
0x18: {  	s0 =	sld [smem:$0x3F95];
	_ =	swait.ge [sflag:s4], $0x0  }
0x19: {  	s7 =	sld [smem:$0x3F96]  }
0x1a: {  	s8 =	sadd.s32 $0xFFFFE003, lr  }
0x1b: {  	s9 =	sadd.s32 $0xFFFFFEF7, lr;
	s5 =	simm.s32 $0xFFFFFFFF;
	p2 =	slt.u32 s8, $0xFFFFF086  }
0x1c: {  	p1 =	slt.u32 s9, $0xF7A;
	s5 =	simm.s32 @!p2 $0x0  }
0x1d: {  	s5 =	simm.s32 @p1 $0x1;
	p0 =	seq.s32 s7, s2  }
0x1e: {  	s7 =	smul.u32 @!p0 $0xF7A, s2;
	p2 =	seq.s32 @!p0 s5, $0x0  }
0x1f: {  	s9 =	smul.u32 $0xF7A, s1;
	s8 =	simm.s32 @!p0 $0x1BF5;
	p2 =	por !p2, p0  }
0x20: {  	[sflag:s8] =	ssyncset.s32 @!p0 $0xFFFFF086;
	s6 =	sadd.s32 @!p0 s3, s7;
	s7 =	simm.s32 @!p0 $0x108  }
0x21: {  	s3 =	sadd.s32 s3, s9;
	s6 =	sadd.s32 @!p0 $0x88, s6;
	s7 =	simm.s32 @p2 $0x1082  }
0x22: {  	[simem:s7], [sflag:s8] =	dma.local @!p0 [hbm:s6], $0xF7A  }
0x23: {  	s9 =	sor.u32 $0xD0000000, s2;
	s6 =	simm.s32 $0x108;
	_ =	swait.ge @!p0 [sflag:s8], $0x0  }
0x24: {  	s3 =	sadd.s32 $0x88, s3;
	s6 =	simm.s32 @!p1 $0x1082;
	[sflag:s4] =	ssyncset.s32 $0xFFFFF086  }
0x25: {  	[simem:s6], [sflag:s4] =	dma.local [hbm:s3], $0xF7A  }
0x26: {  	[smem:$0x3F96] =	sst s1;
	(tag) =	ssettag s2;
	_ =	strace s9  }
0x27: {  	s1 =	sld [smem:$0x3FA6]  }
0x28: {  	s2 =	sld [smem:$0x3FA7]  }
0x29: {  	s4 =	sld [smem:$0x3FA9]  }
0x2a: {  	p0 =	seq.s32 s5, $0x0;
	s5 =	sld [smem:$0x3FAA]  }
0x2b: {  	s6 =	sld [smem:$0x3FAB]  }
0x2c: {  	s7 =	sld [smem:$0x3FAC]  }
0x2d: {  	s3 =	simm.s32 $0x108;
	s8 =	sld [smem:$0x3FAD]  }
0x2e: {  	s3 =	simm.s32 @!p0 $0x1082;
	s9 =	sld [smem:$0x3FAE]  }
0x2f: {  	lr =	sadd.s32 s0, s3;
	s0 =	sld [smem:$0x3FA5]  }
0x30: {  	s3 =	sld [smem:$0x3FA8]  }
0x31: {  	[smem:$0x3FB1] =	sst s10  }
0x32: {  	s10 =	sld [smem:$0x3FAF];
	_ =	sdelay $0x3  }
0x33: {  	p0 =	seq.s32 s10, $0x1;
	s10 =	sld [smem:$0x3FB1];
	_ =	sdelay $0x3  }
0x34: {  	[smem:$0x3FB1] =	sst s10  }
0x35: {  	s10 =	sld [smem:$0x3FB0];
	_ =	sdelay $0x3  }
0x36: {  	p1 =	seq.s32 s10, $0x1;
	s10 =	sld [smem:$0x3FB1];
	_ =	sdelay $0x3  }
0x37: {  	[smem:$0x3FB1] =	sst s10  }
0x38: {  	s10 =	sld [smem:$0x3FB2]  }
0x39: {  	_ = 	snop;
	(pc) =	sbr.ind lr, $3  }
0x3a: {  	_ = 	snop  }
0x3b: {  	_ = 	snop  }
0x3c: {  	p2 =	seq.s32 s10, $0x1;
	s10 =	sld [smem:$0x3FB1]  }
0x3d: {  	_ =	shalt  }
0x3e: {  	_ =	shalt  }
0x3f: {  	_ =	shalt  }
0x40: {  	_ =	shalt  }
0x41: {  	_ =	shalt  }
0x42: {  	_ =	shalt  }
0x43: {  	_ =	shalt  }
0x44: {  	_ =	shalt  }
0x45: {  	_ =	shalt  }
0x46: {  	_ =	shalt  }
0x47: {  	_ =	shalt  }
0x48: {  	_ =	shalt  }
0x49: {  	_ =	shalt  }
0x4a: {  	_ =	shalt  }
0x4b: {  	_ =	shalt  }
0x4c: {  	_ =	shalt  }
0x4d: {  	_ =	shalt  }
0x4e: {  	_ =	shalt  }
0x4f: {  	_ =	shalt  }
0x50: {  	_ =	shalt  }
0x51: {  	_ =	shalt  }
0x52: {  	_ =	shalt  }
0x53: {  	_ =	shalt  }
0x54: {  	_ =	shalt  }
0x55: {  	_ =	shalt  }
0x56: {  	_ =	shalt  }
0x57: {  	_ =	shalt  }
0x58: {  	_ =	shalt  }
0x59: {  	_ =	shalt  }
0x5a: {  	_ =	shalt  }
0x5b: {  	_ =	shalt  }
0x5c: {  	_ =	shalt  }
0x5d: {  	_ =	shalt  }
0x5e: {  	_ =	shalt  }
0x5f: {  	_ =	shalt  }
0x60: {  	_ =	shalt  }
0x61: {  	_ =	shalt  }
0x62: {  	_ =	shalt  }
0x63: {  	_ =	shalt  }
0x64: {  	_ =	shalt  }
0x65: {  	_ =	shalt  }
0x66: {  	_ =	shalt  }
0x67: {  	_ =	shalt  }
0x68: {  	_ =	shalt  }
0x69: {  	_ =	shalt  }
0x6a: {  	_ =	shalt  }
0x6b: {  	_ =	shalt  }
0x6c: {  	_ =	shalt  }
0x6d: {  	_ =	shalt  }
0x6e: {  	_ =	shalt  }
0x6f: {  	_ =	shalt  }
0x70: {  	_ =	shalt  }
0x71: {  	_ =	shalt  }
0x72: {  	_ =	shalt  }
0x73: {  	_ =	shalt  }
0x74: {  	_ =	shalt  }
0x75: {  	_ =	shalt  }
0x76: {  	_ =	shalt  }
0x77: {  	_ =	shalt  }
0x78: {  	_ =	shalt  }
0x79: {  	_ =	shalt  }
0x7a: {  	_ =	shalt  }
0x7b: {  	_ =	shalt  }
0x7c: {  	_ =	shalt  }
0x7d: {  	_ =	shalt  }
0x7e: {  	_ =	shalt  }
0x7f: {  	_ =	shalt  }
0x80: {  	_ =	shalt  }
0x81: {  	_ =	shalt  }
0x82: {  	_ =	shalt  }
0x83: {  	_ =	shalt  }
0x84: {  	_ =	shalt  }
0x85: {  	_ =	shalt  }
0x86: {  	_ =	shalt  }
0x87: {  	_ =	shalt  }
.Lfunc_end0:
.L_simem_size_0:
called_computation.1_lowered:
.L_overlay_start_0:
0x88: {  	s2 =	sld [smem:$0x3FD9]  }
0x89: {  	s3 =	sld [smem:$0x3FFE];
	_ =	sdelay $0x1  }
0x8a: {  	s1 =	srdreg.scid  }
0x8b: {  	s0 =	sand.u32 $0x1, s1  }
0x8c: {  	s17 =	sshll.u32 s0, $0xA;
	s2 =	sadd.s32 s3, s2  }
0x8d: {  	s2 =	sadd.s32 s2, s17  }
0x8e: {  	[smem:$0x3FBD] =	sst s2  }
0x8f: {  	_ = 	snop  }
0x90: {  	s2 =	sld [smem:$0x3FD0];
	(tm) =	ssettm $0x1  }
0x91: {  	s18 =	sld [smem:$0x3FFB];
	_ =	sdelay $0x3  }
0x92: {  	_ =	strace s18  }
0x93: {  	s3 =	sld [smem:$0x3FFC];
	_ =	sdelay $0x3  }
0x94: {  	_ =	strace s3  }
0x95: {  	s3 =	sld [smem:$0x3FFD];
	_ =	sdelay $0x3  }
0x96: {  	_ =	strace s3  }
0x97: {  	_ =	strace $0x8FFFFFFF  }
0x98: {  	s19 =	sld [smem:$0x3FDB];
	_ =	sdelay $0x1  }
0x99: {  	s4 =	simm.s32 $_scs_section_size  }
0x9a: {  	s5 =	simm.s32 $_size__tile_overlayer_lowered;
	s6 =	simm.s32 $_tile_overlayer_lowered  }
0x9b: {  	s22 =	simm.s32 $0x1BFF;
	s21 =	sshll.u32 s6, $0x1;
	s3 =	sadd.s32 s4, s19  }
0x9c: {  	s7 =	simm.s32 $0x0;
	s20 =	sshll.u32 s5, $0x1;
	s5 =	sadd.s32 s21, s3  }
0x9d: {  	[timem:s7], [sflag:s22] =	dma.local [hbm:s5], s20  }
0x9e: {  	_ =	swait.ge [sflag:s22], s20  }
0x9f: {  	s4 =	ssub.s32 $0x0, s20;
	[sflag:s22] =	ssyncset.done $0x0  }
0xa0: {  	[sflag:s22] =	ssyncadd.s32 s4;
	_ =	sdelay $0x1  }
0xa1: {  	s23 =	simm.s32 $0x1B8B  }
0xa2: {  	_ =	swait.ge [sflag:s23], $0x1  }
0xa3: {  	[sflag:s23] =	ssyncset.done $0x0  }
0xa4: {  	s25 =	simm.s32 $0x1B8E;
	s24 =	sld [smem:$0x3FFE];
	[sflag:s23] =	ssyncadd.s32 $0xFFFFFFFF  }
0xa5: {  	s26 =	simm.s32 $execute0_lowered;
	[smem:$0x3FD2] =	sst s25  }
0xa6: {  	s5 =	sshll.u32 s26, $0x1;
	_ =	strace $0x80000049;
	[dreg:$0x1] =	wrdreg $0xFFFFFFFF  }
0xa7: {  	s28 =	simm.s32 $_size_execute0_lowered;
	s3 =	sadd.s32 s3, s5;
	[dreg:$0x0] =	wrdreg $0x0  }
0xa8: {  	s5 =	sshll.u32 s28, $0x1;
	[dreg:$0x2] =	wrdreg s3  }
0xa9: {  	[dreg:$0x3] =	wrdreg s5  }
0xaa: {  	[dreg:$0x4] =	wrdreg $0xC0  }
0xab: {  	_ =	task [dreg:s7], $0x5FFFF  }
0xac: {  	[dreg:$0x1] =	wrdreg $0xFFFFFFFF  }
0xad: {  	[dreg:$0x0] =	wrdreg $0x60  }
0xae: {  	[dreg:$0x2] =	wrdreg s24  }
0xaf: {  	[dreg:$0x3] =	wrdreg s2  }
0xb0: {  	[dreg:$0x4] =	wrdreg $0x68000  }
0xb1: {  	[dreg:$0x5] =	wrdreg $0x9  }
0xb2: {  	_ =	task.clear_ibuf [dreg:s7], $0x6FFFF;
	_ =	strace $0x90000049  }
0xb3: {  	s29 =	simm.s32 $0x9;
	_ =	strace $0x8000004B  }
0xb4: {  	_ =	swait.ge [sflag:s29], $0x1  }
0xb5: {  	[sflag:s29] =	ssyncadd.s32 $0xFFFFFFFF  }
0xb6: {  	_ =	strace $0x9000004B  }
0xb7: {  	_ =	sfence  }
0xb8: {  	s30 =	sld [smem:$0x0];
	_ =	sdelay $0x2  }
0xb9: {  	s31 =	sshll.u32 s1, $0xD;
	s1 =	sshrl.u32 s1, $0x2  }
0xba: {  	s3 =	sand.u32 $0x4000, s31;
	s1 =	sadd.s32 s1, s30  }
0xbb: {  	s0 =	sor.u32 s3, s0;
	s1 =	sshll.u32 s1, $0x11  }
0xbc: {  	s0 =	sor.u32 s1, s0  }
0xbd: {  	s0 =	sadd.s32 $0x8F2B, s0  }
0xbe: {  	[sflag:s0] =	ssyncadd.remote.s32 $0x1  }
0xbf: {  	_ =	sfence.sel $0xFFFF  }
0xc0: {  	[dreg:$0x0] =	wrdreg $0xFFFFFFFF;
	(pc) =	sbr.abs _section_cstart, $3  }
0xc1: {  	[dreg:$0x1] =	wrdreg $0xFFFFFFFF  }
0xc2: {  	_ =	task.clear_ibuf [dreg:s7], $0x2FFFF;
	_ =	strace $0x9FFFFFFF  }
0xc3: {  	(tm) =	ssettm $0x7FFFFFFF  }
tec
execute0_lowered:
.L_overlay_start_1:
0x0: {  	(tag) =	ssettag $0x1  }
0x1: {  	s4 =	rddreg [dreg:$0x0]  }
0x2: {  	s6 =	rddreg [dreg:$0x1]  }
0x3: {  	s2 =	rddreg [dreg:$0x2];
	s3 =	srdreg.scid  }
0x4: {  	s0 =	rddreg [dreg:$0x3];
	s1 =	stileid.u32;
	s16 =	simm.s32 $0x50  }
0x5: {  	s17 =	simm.s32 $0x0;
	s5 =	sand.u32 $0x1, s3;
	s9 =	smul.u32 $0x4E000, s1  }
0x6: {  	s3 =	simm.s32 $0x0;
	s7 =	sshll.u32 s1, $0xB;
	s11 =	smul.u32 $0x13800, s1  }
0x7: {  	s12 =	sadd.s32 $0x13C00, s4;
	s28 =	sshll.u32 s1, $0x6;
	s15 =	sadd.s32 $0x138000, s2  }
0x8: {  	s31 =	smul.u32 $0x27100, s1;
	p0 =	sne.s32 s1, $0xF;
	s8 =	sshll.u32 s5, $0xF  }
0x9: {  	[smem:$0x7FF] =	sst s3;
	s23 =	smul.u32 $0x271000, s5;
	s24 =	ssub.s32 $0x2, s5  }
0xa: {  	s29 =	smul.u32 $0x138800, s5;
	s5 =	sor.u32 $0x1C01, s28;
	s7 =	sor.u32 s7, s8  }
0xb: {  	_ =	strace $0x8000004A;
	s25 =	sshrl.u32 s24, $0x1;
	s9 =	sshrl.u32 s9, $0x2  }
0xc: {  	s26 =	sshrl.u32 s11, $0x3;
	s7 =	sadd.s32 s7, s4;
	s10 =	sadd.s32 s23, s4  }
0xd: {  	s13 =	ssub.s32 s24, s25;
	s14 =	sadd.s32 s9, s2;
	s4 =	sadd.s32 s6, s26  }
0xe: {  	s6 =	sadd.s32 $0x27000, s6;
	s30 =	sadd.s32 s11, s29;
	s9 =	sshrl.u32 s29, $0x3  }
0xf: {  	s7 =	sadd.s32 $0x3C00, s7;
	s8 =	sshrl.u32 s30, $0x3;
	s9 =	sadd.s32 s12, s9  }
0x10: {  	s11 =	sadd.s32 s31, s10;
	s10 =	smax.u32 s13, $0x1;
	s13 =	simm.s32 $0x1  }
0x11: {  	s8 =	sadd.s32 s12, s8;
	s9 =	sadd.s32 $0x27000, s9;
	s11 =	sadd.s32 $0xEF0E00, s11  }
0x12: {  	s12 =	sshrl.u32 s14, $0x3;
	s14 =	sshrl.u32 @!p0 s15, $0x3;
	s15 =	simm.s32 $0x4000  }
.LBB2_1:
0x13: {  	[spmem:s12], [sflag:s5] =	dma.local [hbm:s4], $0x2700  }
0x14: {  	_ =	swait.ge [sflag:s13], $0x2700  }
0x15: {  	[sflag:s13] =	ssyncset.done $0x0  }
0x16: {  	s18 =	simm.s32 @!p0 $0x1;
	[sflag:s13] =	ssyncadd.s32 $0xFFFFD900  }
0x17: {  	[spmem:s14], [sflag:s5] =	dma.local @!p0 [hbm:s6], $0x100  }
0x18: {  	_ =	swait.ge @!p0 [sflag:s18], $0x100  }
0x19: {  	[sflag:s18] =	ssyncset.done @!p0 $0x0  }
0x1a: {  	[sflag:s18] =	ssyncadd.s32 @!p0 $0xFFFFFF00  }
0x1b: {  	[tilespmem:s3], [sflag:$0x1] =	stream.linear.gather [hbm4b:s7+s3], $0x3E80, $0x38;
	[tilespmem:$0x1A080] =	vst v63  }
0x1c: {  	_ =	swait.ge [sflag:s13], $0x3E80  }
0x1d: {  	[sflag:s13] =	ssyncset.done $0x0  }
0x1e: {  	[sflag:s13] =	ssyncadd.s32 $0xFFFFC180  }
0x1f: {  	[bflag:$0x0] =	sbarrier.arrive $0xFFFF  }
0x20: {  	[tilespmem:s15], [sflag:$0x1] =	stream.linear.gather [hbm4b:s11+s3], $0x2800, $0x38;
	[tilespmem:$0x1A080] =	vst v63  }
0x21: {  	_ =	swait.ge [sflag:s13], $0x2800  }
0x22: {  	[sflag:s13] =	ssyncset.done $0x0  }
0x23: {  	s31 =	simm.s32 $0x0;
	[sflag:s13] =	ssyncadd.s32 $0xFFFFD800  }
0x24: {  	[spmem:s2] =	stream.indirect.scatter.add.f32 [tilespmem:s15], [sflag:$0x1], $0x80, s31, s16, $0xb8;
	[tilespmem:$0x1A080] =	vst v63  }
0x25: {  	_ =	swait.ge [sflag:s13], $0x2800  }
0x26: {  	s19 =	smov.u32 s11;
	s18 =	simm.s32 $0x200;
	[sflag:s13] =	ssyncset.done $0x0  }
.LBB2_2:
0x27: {  	p1 =	sne.s32 s18, $0xF800;
	[sflag:s13] =	ssyncadd.s32 $0xFFFFD800;
	s19 =	sadd.s32 $0x500, s19  }
0x28: {  	[tilespmem:s15], [sflag:$0x1] =	stream.linear.gather [hbm4b:s19+s3], $0x2800, $0x38;
	[tilespmem:$0x1A080] =	vst v63  }
0x29: {  	s20 =	smov.u32 s18;
	s18 =	sadd.s32 $0x200, s18;
	_ =	swait.ge [sflag:s13], $0x2800  }
.Ltmp0:
0x2a: {  	[sflag:s13] =	ssyncset.done $0x0;
	(pc) =	sbr.rel @p1 .LBB2_2-.Ltmp0, $4  }
0x2b: {  	s20 =	sshra.s32 s20, $0x2;
	[sflag:s13] =	ssyncadd.s32 $0xFFFFD800  }
0x2c: {  	[spmem:s2] =	stream.indirect.scatter.add.f32 [tilespmem:s15], [sflag:$0x1], $0x80, s20, s16, $0xb8;
	[tilespmem:$0x1A080] =	vst v63  }
0x2d: {  	_ =	swait.ge [sflag:s13], $0x2800  }
0x2e: {  	[sflag:s13] =	ssyncset.done $0x0  }
0x2f: {  	[sflag:s13] =	ssyncadd.s32 $0xFFFFD800  }
0x30: {  	[bflag:$0x0] =	sbarrier.arrive $0xFFFF  }
0x31: {  	[hbm:s8], [sflag:s5] =	dma.local [spmem:s12], $0x2700  }
0x32: {  	s17 =	sadd.s32 $0x1, s17;
	_ =	swait.ge [sflag:s13], $0x2700  }
0x33: {  	p1 =	sne.s32 s17, s10;
	[sflag:s13] =	ssyncset.done $0x0  }
.Ltmp1:
0x34: {  	s18 =	simm.s32 @!p0 $0x1;
	[sflag:s13] =	ssyncadd.s32 $0xFFFFD900;
	(pc) =	sbr.rel @p1 .LBB2_1-.Ltmp1, $4  }
0x35: {  	[hbm:s9], [sflag:s5] =	dma.local @!p0 [spmem:s14], $0x100  }
0x36: {  	_ =	swait.ge @!p0 [sflag:s18], $0x100  }
0x37: {  	[sflag:s18] =	ssyncset.done @!p0 $0x0  }
0x38: {  	[sflag:s18] =	ssyncadd.s32 @!p0 $0xFFFFFF00  }
0x39: {  	_ =	sfence.sel $0x180000  }
0x3a: {  	[bflag:$0x0] =	sbarrier.arrive $0xFFFF  }
0x3b: {  	p0 =	sne.s32 s1, $0x0;
	_ =	strace $0x9000004A  }
0x3c: {  	s0 =	sadd.s32 @!p0 $0x100000, s0;
	[bflag:$0x2] =	sbarrier.arrive $0xFFFF  }
0x3d: {  	[sflag:s0] =	ssyncadd.tile.s32 @!p0 $0x1;
	_ =	shalt  }
.Lfunc_end2:
_tile_overlayer_lowered:
.L_overlay_start_2:
0x3e: {  	(tag) =	ssettag $0x2  }
0x3f: {  	s0 =	rddreg [dreg:$0x0];
	s2 =	stileid.u32  }
0x40: {  	s1 =	rddreg [dreg:$0x1];
	p0 =	sne.s32 s2, $0x0  }
0x41: {  	s3 =	rddreg [dreg:$0x2];
	[bflag:$0x3] =	sbarrier.arrive $0xFFFF;
	s2 =	simm.s32 @!p0 $0x1C01  }
0x42: {  	[timem:s3], [sflag:s2] =	dma.local @!p0 [hbm:s0], s1  }
0x43: {  	s0 =	simm.s32 @!p0 $0x1  }
0x44: {  	_ =	swait.ge @!p0 [sflag:s0], s1  }
0x45: {  	s1 =	ssub.s32 @!p0 $0x0, s1;
	[sflag:s0] =	ssyncset.done @!p0 $0x0  }
0x46: {  	[sflag:s0] =	ssyncadd.s32 @!p0 s1  }
0x47: {  	[bflag:$0x3] =	sbarrier.arrive $0xFFFF  }
0x48: {  	_ =	shalt  }

// kernel: kernel.7.cloned.1.call-start
scs
__scs_entry_jumppad:
0x0: {  	(pc) =	sbr.rel $0x88, $3  }
0x1: {  	(tag) =	ssettag $0x0;
	lr =	simm.s32 $0x1  }
0x2: {  	[smem:$0x3F96] =	sst lr;
	_ =	strace $0xD0000000  }
0x3: {  	_ = 	snop  }
0x4: {  	_ = 	snop  }
0x5: {  	_ = 	snop  }
0x6: {  	_ = 	snop  }
0x7: {  	_ = 	snop  }
__scs_overlays_trampoline_lowered:
0x8: {  	[smem:$0x3FA5] =	sst s0  }
0x9: {  	[smem:$0x3FA6] =	sst s1  }
0xa: {  	[smem:$0x3FA7] =	sst s2  }
0xb: {  	[smem:$0x3FA8] =	sst s3  }
0xc: {  	[smem:$0x3FA9] =	sst s4  }
0xd: {  	[smem:$0x3FAA] =	sst s5  }
0xe: {  	[smem:$0x3FAB] =	sst s6  }
0xf: {  	[smem:$0x3FAC] =	sst s7  }
0x10: {  	[smem:$0x3FAD] =	sst s8  }
0x11: {  	[smem:$0x3FAE] =	sst s9;
	s0 =	simm.s32 @!p0 $0x0  }
0x12: {  	s1 =	sld [smem:$0x3F94];
	s0 =	simm.s32 @p0 $0x1  }
0x13: {  	[smem:$0x3FAF] =	sst s0;
	s0 =	simm.s32 @!p1 $0x0  }
0x14: {  	s2 =	sld [smem:$0x3F93];
	s0 =	simm.s32 @p1 $0x1  }
0x15: {  	[smem:$0x3FB0] =	sst s0;
	s0 =	simm.s32 @!p2 $0x0  }
0x16: {  	s3 =	sld [smem:$0x3FDB];
	s0 =	simm.s32 @p2 $0x1  }
0x17: {  	s4 =	simm.s32 $0x1BF5;
	[smem:$0x3FB2] =	sst s0  }
0x18: {  	s0 =	sld [smem:$0x3F95];
	_ =	swait.ge [sflag:s4], $0x0  }
0x19: {  	s7 =	sld [smem:$0x3F96]  }
0x1a: {  	s8 =	sadd.s32 $0xFFFFE003, lr  }
0x1b: {  	s9 =	sadd.s32 $0xFFFFFEF7, lr;
	s5 =	simm.s32 $0xFFFFFFFF;
	p2 =	slt.u32 s8, $0xFFFFF086  }
0x1c: {  	p1 =	slt.u32 s9, $0xF7A;
	s5 =	simm.s32 @!p2 $0x0  }
0x1d: {  	s5 =	simm.s32 @p1 $0x1;
	p0 =	seq.s32 s7, s2  }
0x1e: {  	s7 =	smul.u32 @!p0 $0xF7A, s2;
	p2 =	seq.s32 @!p0 s5, $0x0  }
0x1f: {  	s9 =	smul.u32 $0xF7A, s1;
	s8 =	simm.s32 @!p0 $0x1BF5;
	p2 =	por !p2, p0  }
0x20: {  	[sflag:s8] =	ssyncset.s32 @!p0 $0xFFFFF086;
	s6 =	sadd.s32 @!p0 s3, s7;
	s7 =	simm.s32 @!p0 $0x108  }
0x21: {  	s3 =	sadd.s32 s3, s9;
	s6 =	sadd.s32 @!p0 $0x88, s6;
	s7 =	simm.s32 @p2 $0x1082  }
0x22: {  	[simem:s7], [sflag:s8] =	dma.local @!p0 [hbm:s6], $0xF7A  }
0x23: {  	s9 =	sor.u32 $0xD0000000, s2;
	s6 =	simm.s32 $0x108;
	_ =	swait.ge @!p0 [sflag:s8], $0x0  }
0x24: {  	s3 =	sadd.s32 $0x88, s3;
	s6 =	simm.s32 @!p1 $0x1082;
	[sflag:s4] =	ssyncset.s32 $0xFFFFF086  }
0x25: {  	[simem:s6], [sflag:s4] =	dma.local [hbm:s3], $0xF7A  }
0x26: {  	[smem:$0x3F96] =	sst s1;
	(tag) =	ssettag s2;
	_ =	strace s9  }
0x27: {  	s1 =	sld [smem:$0x3FA6]  }
0x28: {  	s2 =	sld [smem:$0x3FA7]  }
0x29: {  	s4 =	sld [smem:$0x3FA9]  }
0x2a: {  	p0 =	seq.s32 s5, $0x0;
	s5 =	sld [smem:$0x3FAA]  }
0x2b: {  	s6 =	sld [smem:$0x3FAB]  }
0x2c: {  	s7 =	sld [smem:$0x3FAC]  }
0x2d: {  	s3 =	simm.s32 $0x108;
	s8 =	sld [smem:$0x3FAD]  }
0x2e: {  	s3 =	simm.s32 @!p0 $0x1082;
	s9 =	sld [smem:$0x3FAE]  }
0x2f: {  	lr =	sadd.s32 s0, s3;
	s0 =	sld [smem:$0x3FA5]  }
0x30: {  	s3 =	sld [smem:$0x3FA8]  }
0x31: {  	[smem:$0x3FB1] =	sst s10  }
0x32: {  	s10 =	sld [smem:$0x3FAF];
	_ =	sdelay $0x3  }
0x33: {  	p0 =	seq.s32 s10, $0x1;
	s10 =	sld [smem:$0x3FB1];
	_ =	sdelay $0x3  }
0x34: {  	[smem:$0x3FB1] =	sst s10  }
0x35: {  	s10 =	sld [smem:$0x3FB0];
	_ =	sdelay $0x3  }
0x36: {  	p1 =	seq.s32 s10, $0x1;
	s10 =	sld [smem:$0x3FB1];
	_ =	sdelay $0x3  }
0x37: {  	[smem:$0x3FB1] =	sst s10  }
0x38: {  	s10 =	sld [smem:$0x3FB2]  }
0x39: {  	_ = 	snop;
	(pc) =	sbr.ind lr, $3  }
0x3a: {  	_ = 	snop  }
0x3b: {  	_ = 	snop  }
0x3c: {  	p2 =	seq.s32 s10, $0x1;
	s10 =	sld [smem:$0x3FB1]  }
0x3d: {  	_ =	shalt  }
0x3e: {  	_ =	shalt  }
0x3f: {  	_ =	shalt  }
0x40: {  	_ =	shalt  }
0x41: {  	_ =	shalt  }
0x42: {  	_ =	shalt  }
0x43: {  	_ =	shalt  }
0x44: {  	_ =	shalt  }
0x45: {  	_ =	shalt  }
0x46: {  	_ =	shalt  }
0x47: {  	_ =	shalt  }
0x48: {  	_ =	shalt  }
0x49: {  	_ =	shalt  }
0x4a: {  	_ =	shalt  }
0x4b: {  	_ =	shalt  }
0x4c: {  	_ =	shalt  }
0x4d: {  	_ =	shalt  }
0x4e: {  	_ =	shalt  }
0x4f: {  	_ =	shalt  }
0x50: {  	_ =	shalt  }
0x51: {  	_ =	shalt  }
0x52: {  	_ =	shalt  }
0x53: {  	_ =	shalt  }
0x54: {  	_ =	shalt  }
0x55: {  	_ =	shalt  }
0x56: {  	_ =	shalt  }
0x57: {  	_ =	shalt  }
0x58: {  	_ =	shalt  }
0x59: {  	_ =	shalt  }
0x5a: {  	_ =	shalt  }
0x5b: {  	_ =	shalt  }
0x5c: {  	_ =	shalt  }
0x5d: {  	_ =	shalt  }
0x5e: {  	_ =	shalt  }
0x5f: {  	_ =	shalt  }
0x60: {  	_ =	shalt  }
0x61: {  	_ =	shalt  }
0x62: {  	_ =	shalt  }
0x63: {  	_ =	shalt  }
0x64: {  	_ =	shalt  }
0x65: {  	_ =	shalt  }
0x66: {  	_ =	shalt  }
0x67: {  	_ =	shalt  }
0x68: {  	_ =	shalt  }
0x69: {  	_ =	shalt  }
0x6a: {  	_ =	shalt  }
0x6b: {  	_ =	shalt  }
0x6c: {  	_ =	shalt  }
0x6d: {  	_ =	shalt  }
0x6e: {  	_ =	shalt  }
0x6f: {  	_ =	shalt  }
0x70: {  	_ =	shalt  }
0x71: {  	_ =	shalt  }
0x72: {  	_ =	shalt  }
0x73: {  	_ =	shalt  }
0x74: {  	_ =	shalt  }
0x75: {  	_ =	shalt  }
0x76: {  	_ =	shalt  }
0x77: {  	_ =	shalt  }
0x78: {  	_ =	shalt  }
0x79: {  	_ =	shalt  }
0x7a: {  	_ =	shalt  }
0x7b: {  	_ =	shalt  }
0x7c: {  	_ =	shalt  }
0x7d: {  	_ =	shalt  }
0x7e: {  	_ =	shalt  }
0x7f: {  	_ =	shalt  }
0x80: {  	_ =	shalt  }
0x81: {  	_ =	shalt  }
0x82: {  	_ =	shalt  }
0x83: {  	_ =	shalt  }
0x84: {  	_ =	shalt  }
0x85: {  	_ =	shalt  }
0x86: {  	_ =	shalt  }
0x87: {  	_ =	shalt  }
.Lfunc_end0:
.L_simem_size_0:
called_computation_lowered:
.L_overlay_start_0:
0x88: {  	s2 =	sld [smem:$0x3FD9]  }
0x89: {  	s3 =	sld [smem:$0x3FFE];
	_ =	sdelay $0x1  }
0x8a: {  	s1 =	srdreg.scid  }
0x8b: {  	s0 =	sand.u32 $0x1, s1  }
0x8c: {  	s17 =	sshll.u32 s0, $0xA;
	s2 =	sadd.s32 s3, s2  }
0x8d: {  	s2 =	sadd.s32 s2, s17  }
0x8e: {  	[smem:$0x3FBD] =	sst s2  }
0x8f: {  	_ = 	snop  }
0x90: {  	s2 =	sld [smem:$0x3FD0];
	(tm) =	ssettm $0x1  }
0x91: {  	s18 =	sld [smem:$0x3FFB];
	_ =	sdelay $0x3  }
0x92: {  	_ =	strace s18  }
0x93: {  	s3 =	sld [smem:$0x3FFC];
	_ =	sdelay $0x3  }
0x94: {  	_ =	strace s3  }
0x95: {  	s3 =	sld [smem:$0x3FFD];
	_ =	sdelay $0x3  }
0x96: {  	_ =	strace s3  }
0x97: {  	_ =	strace $0x8FFFFFFF  }
0x98: {  	s19 =	sld [smem:$0x3FDB];
	_ =	sdelay $0x1  }
0x99: {  	s4 =	simm.s32 $_scs_section_size  }
0x9a: {  	s5 =	simm.s32 $_size__tile_overlayer_lowered;
	s6 =	simm.s32 $_tile_overlayer_lowered  }
0x9b: {  	s22 =	simm.s32 $0x1BFF;
	s21 =	sshll.u32 s6, $0x1;
	s3 =	sadd.s32 s4, s19  }
0x9c: {  	s7 =	simm.s32 $0x0;
	s20 =	sshll.u32 s5, $0x1;
	s5 =	sadd.s32 s21, s3  }
0x9d: {  	[timem:s7], [sflag:s22] =	dma.local [hbm:s5], s20  }
0x9e: {  	_ =	swait.ge [sflag:s22], s20  }
0x9f: {  	s4 =	ssub.s32 $0x0, s20;
	[sflag:s22] =	ssyncset.done $0x0  }
0xa0: {  	[sflag:s22] =	ssyncadd.s32 s4;
	_ =	sdelay $0x1  }
0xa1: {  	s23 =	simm.s32 $0x1B8B  }
0xa2: {  	_ =	swait.ge [sflag:s23], $0x1  }
0xa3: {  	[sflag:s23] =	ssyncset.done $0x0  }
0xa4: {  	s25 =	simm.s32 $0x1B8E;
	s24 =	sld [smem:$0x3FFE];
	[sflag:s23] =	ssyncadd.s32 $0xFFFFFFFF  }
0xa5: {  	s26 =	simm.s32 $execute0_lowered;
	[smem:$0x3FD2] =	sst s25  }
0xa6: {  	s5 =	sshll.u32 s26, $0x1;
	_ =	strace $0x80000046;
	[dreg:$0x1] =	wrdreg $0xFFFFFFFF  }
0xa7: {  	s28 =	simm.s32 $_size_execute0_lowered;
	s3 =	sadd.s32 s3, s5;
	[dreg:$0x0] =	wrdreg $0x0  }
0xa8: {  	s5 =	sshll.u32 s28, $0x1;
	[dreg:$0x2] =	wrdreg s3  }
0xa9: {  	[dreg:$0x3] =	wrdreg s5  }
0xaa: {  	[dreg:$0x4] =	wrdreg $0xC0  }
0xab: {  	_ =	task [dreg:s7], $0x5FFFF  }
0xac: {  	[dreg:$0x1] =	wrdreg $0xFFFFFFFF  }
0xad: {  	[dreg:$0x0] =	wrdreg $0x60  }
0xae: {  	[dreg:$0x2] =	wrdreg s24  }
0xaf: {  	[dreg:$0x3] =	wrdreg s2  }
0xb0: {  	[dreg:$0x4] =	wrdreg $0x9  }
0xb1: {  	_ =	task.clear_ibuf [dreg:s7], $0x5FFFF;
	_ =	strace $0x90000046  }
0xb2: {  	s29 =	simm.s32 $0x9;
	_ =	strace $0x80000048  }
0xb3: {  	_ =	swait.ge [sflag:s29], $0x1  }
0xb4: {  	[sflag:s29] =	ssyncadd.s32 $0xFFFFFFFF  }
0xb5: {  	_ =	strace $0x90000048  }
0xb6: {  	_ =	sfence  }
0xb7: {  	s30 =	sld [smem:$0x0];
	_ =	sdelay $0x2  }
0xb8: {  	s31 =	sshll.u32 s1, $0xD;
	s1 =	sshrl.u32 s1, $0x2  }
0xb9: {  	s3 =	sand.u32 $0x4000, s31;
	s1 =	sadd.s32 s1, s30  }
0xba: {  	s0 =	sor.u32 s3, s0;
	s1 =	sshll.u32 s1, $0x11  }
0xbb: {  	s0 =	sor.u32 s1, s0  }
0xbc: {  	s0 =	sadd.s32 $0x8F2B, s0  }
0xbd: {  	[sflag:s0] =	ssyncadd.remote.s32 $0x1  }
0xbe: {  	_ =	sfence.sel $0xFFFF  }
0xbf: {  	[dreg:$0x0] =	wrdreg $0xFFFFFFFF;
	(pc) =	sbr.abs _section_cstart, $3  }
0xc0: {  	[dreg:$0x1] =	wrdreg $0xFFFFFFFF  }
0xc1: {  	_ =	task.clear_ibuf [dreg:s7], $0x2FFFF;
	_ =	strace $0x9FFFFFFF  }
0xc2: {  	(tm) =	ssettm $0x7FFFFFFF  }
0xc3: {  	_ =	shalt  }
tec
execute0_lowered:
.L_overlay_start_1:
0x0: {  	(tag) =	ssettag $0x1  }
0x1: {  	s5 =	rddreg [dreg:$0x0]  }
0x2: {  	s2 =	rddreg [dreg:$0x1]  }
0x3: {  	s0 =	rddreg [dreg:$0x2];
	s4 =	srdreg.scid  }
0x4: {  	s3 =	simm.s32 $0x0;
	s1 =	stileid.u32;
	s10 =	simm.s32 $0x3  }
0x5: {  	s11 =	simm.s32 $0x4000;
	s12 =	simm.s32 $0x50;
	s13 =	simm.s32 $0x8000  }
0x6: {  	s14 =	simm.s32 $0xA800;
	s15 =	simm.s32 $0x1;
	s16 =	simm.s32 $0x2  }
0x7: {  	s17 =	simm.s32 $0x0;
	s4 =	sand.u32 $0x1, s4;
	[smem:$0x7FF] =	sst s3  }
0x8: {  	s6 =	sshll.u32 s1, $0xB;
	s9 =	smul.u32 $0x27100, s1;
	s7 =	sshll.u32 s4, $0xF  }
0x9: {  	_ =	strace $0x80000047;
	s30 =	smul.u32 $0x271000, s4;
	s8 =	ssub.s32 $0x2, s4  }
0xa: {  	s4 =	sadd.s32 $0x23C00, s5;
	s6 =	sor.u32 s6, s7;
	s31 =	sshrl.u32 s8, $0x1  }
0xb: {  	s6 =	sadd.s32 s6, s5;
	s7 =	sadd.s32 s30, s5;
	s8 =	ssub.s32 s8, s31  }
0xc: {  	s5 =	sadd.s32 $0x3C00, s6;
	s9 =	sadd.s32 s9, s7;
	s6 =	sadd.s32 $0x13C00, s6  }
0xd: {  	s7 =	smax.u32 s8, $0x1;
	s8 =	sadd.s32 $0x4AE00, s9;
	s9 =	sadd.s32 $0x52CE00, s9  }
.LBB2_1:
0xe: {  	[tilespmem:s3], [sflag:$0x3] =	stream.linear.gather [hbm4b:s5+s3], $0x3E80, $0x38;
	[tilespmem:$0xD000] =	vst v63  }
0xf: {  	_ =	swait.ge [sflag:s10], $0x3E80  }
0x10: {  	[sflag:s10] =	ssyncset.done $0x0  }
0x11: {  	[sflag:s10] =	ssyncadd.s32 $0xFFFFC180  }
0x12: {  	[tilespmem:s11], [sflag:$0x3] =	stream.linear.gather [hbm4b:s6+s3], $0x3E80, $0x38;
	[tilespmem:$0xD000] =	vst v63  }
0x13: {  	_ =	swait.ge [sflag:s10], $0x3E80  }
0x14: {  	[sflag:s10] =	ssyncset.done $0x0  }
0x15: {  	s18 =	simm.s32 $0x0;
	[sflag:s10] =	ssyncadd.s32 $0xFFFFC180  }
0x16: {  	[tilespmem:s13], [sflag:$0x1] =	stream.indirect.gather [hbm4b:s2+s12], $0x80, s18, s12, $0xb8;
	[tilespmem:$0xD000] =	vst v63  }
0x17: {  	s31 =	simm.s32 $0x4000  }
0x18: {  	[tilespmem:s14], [sflag:$0x2] =	stream.indirect.gather [hbm4b:s4+s12], $0x80, s31, s12, $0xb8;
	[tilespmem:$0xD000] =	vst v63  }
0x19: {  	_ =	swait.ge [sflag:s15], $0x2800  }
0x1a: {  	[sflag:s15] =	ssyncset.done $0x0  }
0x1b: {  	[sflag:s15] =	ssyncadd.s32 $0xFFFFD800  }
0x1c: {  	_ =	swait.ge [sflag:s16], $0x2800  }
0x1d: {  	[sflag:s16] =	ssyncset.done $0x0  }
0x1e: {  	[sflag:s16] =	ssyncadd.s32 $0xFFFFD800  }
0x1f: {  	[hbm4b:s8+s3] =	stream.linear.scatter [tilespmem:s13], [sflag:$0x3], $0x2800, $0x38;
	[tilespmem:$0xD000] =	vst v63  }
0x20: {  	_ =	swait.ge [sflag:s10], $0x2800  }
0x21: {  	[sflag:s10] =	ssyncset.done $0x0  }
0x22: {  	[sflag:s10] =	ssyncadd.s32 $0xFFFFD800  }
0x23: {  	[hbm4b:s9+s3] =	stream.linear.scatter [tilespmem:s14], [sflag:$0x3], $0x2800, $0x38;
	[tilespmem:$0xD000] =	vst v63  }
0x24: {  	s20 =	simm.s32 $0x200;
	s21 =	simm.s32 $0x400;
	_ =	swait.ge [sflag:s10], $0x2800  }
0x25: {  	s19 =	sadd.s32 $0x500, s8;
	s18 =	sadd.s32 $0x500, s9;
	[sflag:s10] =	ssyncset.done $0x0  }
.LBB2_2:
0x26: {  	s22 =	sshra.s32 s20, $0x2  }
0x27: {  	[sflag:s10] =	ssyncadd.s32 $0xFFFFD800;
	s20 =	smov.u32 s21;
	s23 =	sadd.s32 $0x200, s21  }
0x28: {  	[tilespmem:s13], [sflag:$0x1] =	stream.indirect.gather [hbm4b:s2+s12], $0x80, s22, s12, $0xb8;
	[tilespmem:$0xD000] =	vst v63  }
0x29: {  	p0 =	sne.s32 s21, $0xF800;
	s21 =	sadd.s32 $0x4000, s22  }
0x2a: {  	[tilespmem:s14], [sflag:$0x2] =	stream.indirect.gather [hbm4b:s4+s12], $0x80, s21, s12, $0xb8;
	[tilespmem:$0xD000] =	vst v63  }
0x2b: {  	_ =	swait.ge [sflag:s15], $0x2800  }
0x2c: {  	[sflag:s15] =	ssyncset.done $0x0  }
0x2d: {  	[sflag:s15] =	ssyncadd.s32 $0xFFFFD800  }
0x2e: {  	_ =	swait.ge [sflag:s16], $0x2800  }
0x2f: {  	[sflag:s16] =	ssyncset.done $0x0  }
0x30: {  	[sflag:s16] =	ssyncadd.s32 $0xFFFFD800  }
0x31: {  	[hbm4b:s19+s3] =	stream.linear.scatter [tilespmem:s13], [sflag:$0x3], $0x2800, $0x38;
	[tilespmem:$0xD000] =	vst v63  }
0x32: {  	_ =	swait.ge [sflag:s10], $0x2800  }
.Ltmp0:
0x33: {  	[sflag:s10] =	ssyncset.done $0x0;
	(pc) =	sbr.rel @p0 .LBB2_2-.Ltmp0, $4  }
0x34: {  	[sflag:s10] =	ssyncadd.s32 $0xFFFFD800  }
0x35: {  	[hbm4b:s18+s3] =	stream.linear.scatter [tilespmem:s14], [sflag:$0x3], $0x2800, $0x38;
	[tilespmem:$0xD000] =	vst v63  }
0x36: {  	s21 =	smov.u32 s23;
	_ =	swait.ge [sflag:s10], $0x2800  }
0x37: {  	s19 =	sadd.s32 $0x500, s19;
	s18 =	sadd.s32 $0x500, s18;
	[sflag:s10] =	ssyncset.done $0x0  }
0x38: {  	s20 =	sshra.s32 s20, $0x2;
	[sflag:s10] =	ssyncadd.s32 $0xFFFFD800  }
0x39: {  	[tilespmem:s13], [sflag:$0x1] =	stream.indirect.gather [hbm4b:s2+s12], $0x80, s20, s12, $0xb8;
	[tilespmem:$0xD000] =	vst v63  }
0x3a: {  	s20 =	sadd.s32 $0x4000, s20  }
0x3b: {  	[tilespmem:s14], [sflag:$0x2] =	stream.indirect.gather [hbm4b:s4+s12], $0x80, s20, s12, $0xb8;
	[tilespmem:$0xD000] =	vst v63  }
0x3c: {  	_ =	swait.ge [sflag:s15], $0x2800  }
0x3d: {  	[sflag:s15] =	ssyncset.done $0x0  }
0x3e: {  	[sflag:s15] =	ssyncadd.s32 $0xFFFFD800  }
0x3f: {  	_ =	swait.ge [sflag:s16], $0x2800  }
0x40: {  	[sflag:s16] =	ssyncset.done $0x0  }
0x41: {  	[sflag:s16] =	ssyncadd.s32 $0xFFFFD800  }
0x42: {  	[hbm4b:s19+s3] =	stream.linear.scatter [tilespmem:s13], [sflag:$0x3], $0x2800, $0x38;
	[tilespmem:$0xD000] =	vst v63  }
0x43: {  	s17 =	sadd.s32 $0x1, s17;
	_ =	swait.ge [sflag:s10], $0x2800  }
0x44: {  	p0 =	sne.s32 s17, s7;
	[sflag:s10] =	ssyncset.done $0x0  }
.Ltmp1:
0x45: {  	[sflag:s10] =	ssyncadd.s32 $0xFFFFD800;
	(pc) =	sbr.rel @p0 .LBB2_1-.Ltmp1, $4  }
0x46: {  	[hbm4b:s18+s3] =	stream.linear.scatter [tilespmem:s14], [sflag:$0x3], $0x2800, $0x38;
	[tilespmem:$0xD000] =	vst v63  }
0x47: {  	_ =	swait.ge [sflag:s10], $0x2800  }
0x48: {  	[sflag:s10] =	ssyncset.done $0x0  }
0x49: {  	[sflag:s10] =	ssyncadd.s32 $0xFFFFD800  }
0x4a: {  	_ =	sfence.sel $0x180000  }
0x4b: {  	[bflag:$0x0] =	sbarrier.arrive $0xFFFF  }
0x4c: {  	p0 =	sne.s32 s1, $0x0;
	_ =	strace $0x90000047  }
0x4d: {  	s0 =	sadd.s32 @!p0 $0x100000, s0;
	[bflag:$0x2] =	sbarrier.arrive $0xFFFF  }
0x4e: {  	[sflag:s0] =	ssyncadd.tile.s32 @!p0 $0x1;
	_ =	shalt  }
.Lfunc_end2:
_tile_overlayer_lowered:
.L_overlay_start_2:
0x4f: {  	(tag) =	ssettag $0x2  }
0x50: {  	s0 =	rddreg [dreg:$0x0];
	s2 =	stileid.u32  }
0x51: {  	s1 =	rddreg [dreg:$0x1];
	p0 =	sne.s32 s2, $0x0  }
0x52: {  	s3 =	rddreg [dreg:$0x2];
	[bflag:$0x3] =	sbarrier.arrive $0xFFFF;
	s2 =	simm.s32 @!p0 $0x1C03  }
0x53: {  	[timem:s3], [sflag:s2] =	dma.local @!p0 [hbm:s0], s1  }
0x54: {  	s0 =	simm.s32 @!p0 $0x3  }
0x55: {  	_ =	swait.ge @!p0 [sflag:s0], s1  }
0x56: {  	s1 =	ssub.s32 @!p0 $0x0, s1;
	[sflag:s0] =	ssyncset.done @!p0 $0x0  }
0x57: {  	[sflag:s0] =	ssyncadd.s32 @!p0 s1  }
0x58: {  	[bflag:$0x3] =	sbarrier.arrive $0xFFFF  }
0x59: {  	_ =	shalt  }

</sc_bundles>
